<compile_context>
chip_gen: v7x
topology: tpu7x:2x2x1
jax: 0.10.2.dev20260603
libtpu: 0.0.44.dev20260713+nightly
codegen_flags: <defaults>
</compile_context>

<pallas_src>
import functools

import jax
import jax.numpy as jnp
from jax import lax
from jax.experimental import pallas as pl
from jax.experimental.pallas import tpu as pltpu
from jax.experimental.pallas import tpu_sc as plsc

VOCAB = 2
WIDTH = 1024
N_ROWS = 4 * 8192

NUM_CORES = 2
NUM_SUBCORES = 16
NUM_WORKERS = NUM_CORES * NUM_SUBCORES
ROWS_PER_WORKER = N_ROWS // NUM_WORKERS
NSEM = 16


@functools.partial(
    pl.kernel,
    out_type=jax.ShapeDtypeStruct((N_ROWS, WIDTH), jnp.float32),
    mesh=plsc.VectorSubcoreMesh(
        core_axis_name="c", subcore_axis_name="s",
        num_cores=NUM_CORES, num_subcores=NUM_SUBCORES,
    ),
    scratch_types=[
        pltpu.VMEM((ROWS_PER_WORKER,), jnp.int32),
        pltpu.VMEM((VOCAB, WIDTH), jnp.float32),
        [pltpu.SemaphoreType.DMA] * NSEM,
    ],
)
def _embed_sc(ids_hbm, table_hbm, out_hbm, idx_v, table_v, sems):
    wid = lax.axis_index("s") * NUM_CORES + lax.axis_index("c")
    base = wid * ROWS_PER_WORKER
    pltpu.sync_copy(ids_hbm.at[pl.ds(base, ROWS_PER_WORKER)], idx_v)
    pltpu.sync_copy(table_hbm, table_v)

    def issue_slice(s, *, drain_first):
        off = pl.multiple_of(s * 16, 16)
        ids16 = idx_v[pl.ds(off, 16)]
        for j in range(16):
            if drain_first:
                pltpu.make_async_copy(
                    table_v.at[pl.ds(0, 1)],
                    out_hbm.at[pl.ds(base, 1)],
                    sems[j],
                ).wait()
            row_id = ids16[j]
            pltpu.async_copy(
                table_v.at[pl.ds(row_id, 1)],
                out_hbm.at[pl.ds(base + off + j, 1)],
                sems[j],
            )

    issue_slice(0, drain_first=False)

    def body(s, carry):
        issue_slice(s, drain_first=True)
        return carry

    lax.fori_loop(1, ROWS_PER_WORKER // 16, body, 0)

    for j in range(16):
        pltpu.make_async_copy(
            table_v.at[pl.ds(0, 1)],
            out_hbm.at[pl.ds(base, 1)],
            sems[j],
        ).wait()


def kernel(input, kernel):
    ids = jnp.reshape(input, (N_ROWS,)).astype(jnp.int32)
    out = _embed_sc(ids, kernel)
    return jnp.reshape(out, (4, 8192, WIDTH))

# --- scband reference (transcript-rebuilt; emitter-appended) ---
"""Pipeline reference for scband-token-type-embedding-21887153340870 (READ-ONLY COPY).

The authoritative reference and input builder live on the scoring server;
editing this copy changes nothing except your own understanding.
"""

import jax, jax.numpy as jnp
import numpy as np

TOKEN_TYPE_VOCAB_SIZE = 2
WIDTH = 1024
BATCH = 4
SEQ = 8192


def setup_inputs(seed: int = 0) -> dict:
    key = jax.random.key(seed)
    k1, k2 = jax.random.split(key)
    input_ids = jax.random.randint(k1, (BATCH, SEQ), 0, TOKEN_TYPE_VOCAB_SIZE, dtype=jnp.int64 if jax.config.jax_enable_x64 else jnp.int32)
    # glorot_uniform init for kernel [vocab, width]
    limit = float(np.sqrt(6.0 / (TOKEN_TYPE_VOCAB_SIZE + WIDTH)))
    kernel = jax.random.uniform(k2, (TOKEN_TYPE_VOCAB_SIZE, WIDTH), minval=-limit, maxval=limit, dtype=jnp.float32)
    return {"input": input_ids, "kernel": kernel}


def reference(input, kernel):
    # Faithful translation of TokenTypeEmbedding.call: one-hot matmul lookup
    flat_token_type_ids = jnp.reshape(input, (-1,))
    one_hot_ids = jax.nn.one_hot(flat_token_type_ids, TOKEN_TYPE_VOCAB_SIZE, dtype=kernel.dtype)
    token_type_embeddings = jnp.matmul(one_hot_ids, kernel)
    return jnp.reshape(token_type_embeddings, (BATCH, SEQ, WIDTH))

if __name__ == "__main__":
    import jax
    _d = setup_inputs()
    print(jax.jit(kernel)(*tuple(_d.values())))

</pallas_src>

<mosaic_0001>
#map = affine_map<(d0, d1) -> (0)>
#map1 = affine_map<(d0, d1) -> (0, 0)>
module attributes {stable_mosaic.version = 14 : i64} {
  func.func @_embed_sc(%arg0: i32, %arg1: i32, %arg2: memref<32768xi32, #tpu.memory_space<hbm>>, %arg3: memref<2x1024xf32, #tpu.memory_space<hbm>>, %arg4: memref<32768x1024xf32, #tpu.memory_space<hbm>>, %arg5: memref<1024xi32, #tpu.memory_space<vmem>>, %arg6: memref<2x1024xf32, #tpu.memory_space<vmem>>, %arg7: memref<!tpu.dma_semaphore, #tpu.memory_space<semaphore_mem>>, %arg8: memref<!tpu.dma_semaphore, #tpu.memory_space<semaphore_mem>>, %arg9: memref<!tpu.dma_semaphore, #tpu.memory_space<semaphore_mem>>, %arg10: memref<!tpu.dma_semaphore, #tpu.memory_space<semaphore_mem>>, %arg11: memref<!tpu.dma_semaphore, #tpu.memory_space<semaphore_mem>>, %arg12: memref<!tpu.dma_semaphore, #tpu.memory_space<semaphore_mem>>, %arg13: memref<!tpu.dma_semaphore, #tpu.memory_space<semaphore_mem>>, %arg14: memref<!tpu.dma_semaphore, #tpu.memory_space<semaphore_mem>>, %arg15: memref<!tpu.dma_semaphore, #tpu.memory_space<semaphore_mem>>, %arg16: memref<!tpu.dma_semaphore, #tpu.memory_space<semaphore_mem>>, %arg17: memref<!tpu.dma_semaphore, #tpu.memory_space<semaphore_mem>>, %arg18: memref<!tpu.dma_semaphore, #tpu.memory_space<semaphore_mem>>, %arg19: memref<!tpu.dma_semaphore, #tpu.memory_space<semaphore_mem>>, %arg20: memref<!tpu.dma_semaphore, #tpu.memory_space<semaphore_mem>>, %arg21: memref<!tpu.dma_semaphore, #tpu.memory_space<semaphore_mem>>, %arg22: memref<!tpu.dma_semaphore, #tpu.memory_space<semaphore_mem>>) attributes {dimension_semantics = [#tpu.dimension_semantics<core_parallel>, #tpu.dimension_semantics<subcore_parallel>], iteration_bounds = array<i64: 2, 16>, scalar_prefetch = 0 : i64, scratch_operands = 18 : i64, tpu.core_type = #tpu.core_type<sc_vector_subcore>, window_params = [{transform_indices = #map}, {transform_indices = #map1}, {transform_indices = #map1}]} {
    %mul3A = arith.constant 2 : i32
    %mul3A_0 = arith.muli %arg1, %mul3A : i32
    %add3A = arith.addi %mul3A_0, %arg0 : i32
    %mul3A_1 = arith.constant 1024 : i32
    %mul3A_2 = arith.muli %add3A, %mul3A_1 : i32
    "tpu.region"() ({
      %run_scoped3A = tpu.sem_alloc : memref<!tpu.dma_semaphore, #tpu.memory_space<semaphore_mem>>
      %dma_start3A_375 = tpu.memref_slice %arg2[%mul3A_2] : memref<32768xi32, #tpu.memory_space<hbm>> -> memref<1024xi32, #tpu.memory_space<hbm>>
      %dma_start3A_376 = tpu.memref_slice %arg2[%mul3A_2] : memref<32768xi32, #tpu.memory_space<hbm>> -> memref<1024xi32, #tpu.memory_space<hbm>>
      tpu.enqueue_dma source(%dma_start3A_376 : memref<1024xi32, #tpu.memory_space<hbm>>) target(%arg5 : memref<1024xi32, #tpu.memory_space<vmem>>) target_semaphore(%run_scoped3A : memref<!tpu.dma_semaphore, #tpu.memory_space<semaphore_mem>>)
      %dma_wait3A_377 = tpu.memref_slice %arg2[%mul3A_2] : memref<32768xi32, #tpu.memory_space<hbm>> -> memref<1024xi32, #tpu.memory_space<hbm>>
      %dma_wait3A_378 = tpu.memref_slice %arg2[%mul3A_2] : memref<32768xi32, #tpu.memory_space<hbm>> -> memref<1024xi32, #tpu.memory_space<hbm>>
      tpu.wait_dma2 semaphore(%run_scoped3A : memref<!tpu.dma_semaphore, #tpu.memory_space<semaphore_mem>>) src(%dma_wait3A_378 : memref<1024xi32, #tpu.memory_space<hbm>>) dst(%arg5 : memref<1024xi32, #tpu.memory_space<vmem>>)
      tpu.yield
    }) : () -> ()
    "tpu.region"() ({
      %run_scoped3A = tpu.sem_alloc : memref<!tpu.dma_semaphore, #tpu.memory_space<semaphore_mem>>
      tpu.enqueue_dma source(%arg3 : memref<2x1024xf32, #tpu.memory_space<hbm>>) target(%arg6 : memref<2x1024xf32, #tpu.memory_space<vmem>>) target_semaphore(%run_scoped3A : memref<!tpu.dma_semaphore, #tpu.memory_space<semaphore_mem>>)
      tpu.wait_dma2 semaphore(%run_scoped3A : memref<!tpu.dma_semaphore, #tpu.memory_space<semaphore_mem>>) src(%arg3 : memref<2x1024xf32, #tpu.memory_space<hbm>>) dst(%arg6 : memref<2x1024xf32, #tpu.memory_space<vmem>>)
      tpu.yield
    }) : () -> ()
    %multiple_of3A = arith.constant 0 : i32
    %multiple_of3A_3 = tpu.assume_multiple %multiple_of3A, 16 : i32
    %get3A = arith.index_cast %multiple_of3A_3 : i32 to index
    %get3A_4 = tpu.vector_load %arg5[%get3A] {strides = array<i32>} : memref<1024xi32, #tpu.memory_space<vmem>>, vector<16xi32>,
    %get3A_5 = vector.shape_cast %get3A_4 : vector<16xi32> to vector<16xi32>
    %slice3A = vector.extract_strided_slice %get3A_5 {offsets = [0], sizes = [1], strides = [1]} : vector<16xi32> to vector<1xi32>
    %squeeze3A = vector.extract %slice3A[0] : i32 from vector<1xi32>
    %add3A_6 = arith.addi %mul3A_2, %multiple_of3A_3 : i32
    %add3A_7 = arith.constant 0 : i32
    %add3A_8 = arith.addi %add3A_6, %add3A_7 : i32
    %dma_start3A = arith.constant 0 : i32
    %dma_start3A_9 = tpu.memref_slice %arg6[%squeeze3A, %dma_start3A] : memref<2x1024xf32, #tpu.memory_space<vmem>> -> memref<1x1024xf32, #tpu.memory_space<vmem>>
    %dma_start3A_10 = arith.constant 0 : i32
    %dma_start3A_11 = tpu.memref_slice %arg4[%add3A_8, %dma_start3A_10] : memref<32768x1024xf32, #tpu.memory_space<hbm>> -> memref<1x1024xf32, #tpu.memory_space<hbm>>
    %dma_start3A_12 = arith.constant 0 : i32
    %dma_start3A_13 = tpu.memref_slice %arg4[%add3A_8, %dma_start3A_12] : memref<32768x1024xf32, #tpu.memory_space<hbm>> -> memref<1x1024xf32, #tpu.memory_space<hbm>>
    %dma_start3A_14 = arith.constant 0 : i32
    %dma_start3A_15 = tpu.memref_slice %arg6[%squeeze3A, %dma_start3A_14] : memref<2x1024xf32, #tpu.memory_space<vmem>> -> memref<1x1024xf32, #tpu.memory_space<vmem>>
    tpu.enqueue_dma source(%dma_start3A_15 : memref<1x1024xf32, #tpu.memory_space<vmem>>) target(%dma_start3A_13 : memref<1x1024xf32, #tpu.memory_space<hbm>>) target_semaphore(%arg7 : memref<!tpu.dma_semaphore, #tpu.memory_space<semaphore_mem>>)
    %slice3A_16 = vector.extract_strided_slice %get3A_5 {offsets = [1], sizes = [1], strides = [1]} : vector<16xi32> to vector<1xi32>
    %squeeze3A_17 = vector.extract %slice3A_16[0] : i32 from vector<1xi32>
    %add3A_18 = arith.addi %mul3A_2, %multiple_of3A_3 : i32
    %add3A_19 = arith.constant 1 : i32
    %add3A_20 = arith.addi %add3A_18, %add3A_19 : i32
    %dma_start3A_21 = arith.constant 0 : i32
    %dma_start3A_22 = tpu.memref_slice %arg6[%squeeze3A_17, %dma_start3A_21] : memref<2x1024xf32, #tpu.memory_space<vmem>> -> memref<1x1024xf32, #tpu.memory_space<vmem>>
    %dma_start3A_23 = arith.constant 0 : i32
    %dma_start3A_24 = tpu.memref_slice %arg4[%add3A_20, %dma_start3A_23] : memref<32768x1024xf32, #tpu.memory_space<hbm>> -> memref<1x1024xf32, #tpu.memory_space<hbm>>
    %dma_start3A_25 = arith.constant 0 : i32
    %dma_start3A_26 = tpu.memref_slice %arg4[%add3A_20, %dma_start3A_25] : memref<32768x1024xf32, #tpu.memory_space<hbm>> -> memref<1x1024xf32, #tpu.memory_space<hbm>>
    %dma_start3A_27 = arith.constant 0 : i32
    %dma_start3A_28 = tpu.memref_slice %arg6[%squeeze3A_17, %dma_start3A_27] : memref<2x1024xf32, #tpu.memory_space<vmem>> -> memref<1x1024xf32, #tpu.memory_space<vmem>>
    tpu.enqueue_dma source(%dma_start3A_28 : memref<1x1024xf32, #tpu.memory_space<vmem>>) target(%dma_start3A_26 : memref<1x1024xf32, #tpu.memory_space<hbm>>) target_semaphore(%arg8 : memref<!tpu.dma_semaphore, #tpu.memory_space<semaphore_mem>>)
    %slice3A_29 = vector.extract_strided_slice %get3A_5 {offsets = [2], sizes = [1], strides = [1]} : vector<16xi32> to vector<1xi32>
    %squeeze3A_30 = vector.extract %slice3A_29[0] : i32 from vector<1xi32>
    %add3A_31 = arith.addi %mul3A_2, %multiple_of3A_3 : i32
    %add3A_32 = arith.constant 2 : i32
    %add3A_33 = arith.addi %add3A_31, %add3A_32 : i32
    %dma_start3A_34 = arith.constant 0 : i32
    %dma_start3A_35 = tpu.memref_slice %arg6[%squeeze3A_30, %dma_start3A_34] : memref<2x1024xf32, #tpu.memory_space<vmem>> -> memref<1x1024xf32, #tpu.memory_space<vmem>>
    %dma_start3A_36 = arith.constant 0 : i32
    %dma_start3A_37 = tpu.memref_slice %arg4[%add3A_33, %dma_start3A_36] : memref<32768x1024xf32, #tpu.memory_space<hbm>> -> memref<1x1024xf32, #tpu.memory_space<hbm>>
    %dma_start3A_38 = arith.constant 0 : i32
    %dma_start3A_39 = tpu.memref_slice %arg4[%add3A_33, %dma_start3A_38] : memref<32768x1024xf32, #tpu.memory_space<hbm>> -> memref<1x1024xf32, #tpu.memory_space<hbm>>
    %dma_start3A_40 = arith.constant 0 : i32
    %dma_start3A_41 = tpu.memref_slice %arg6[%squeeze3A_30, %dma_start3A_40] : memref<2x1024xf32, #tpu.memory_space<vmem>> -> memref<1x1024xf32, #tpu.memory_space<vmem>>
    tpu.enqueue_dma source(%dma_start3A_41 : memref<1x1024xf32, #tpu.memory_space<vmem>>) target(%dma_start3A_39 : memref<1x1024xf32, #tpu.memory_space<hbm>>) target_semaphore(%arg9 : memref<!tpu.dma_semaphore, #tpu.memory_space<semaphore_mem>>)
    %slice3A_42 = vector.extract_strided_slice %get3A_5 {offsets = [3], sizes = [1], strides = [1]} : vector<16xi32> to vector<1xi32>
    %squeeze3A_43 = vector.extract %slice3A_42[0] : i32 from vector<1xi32>
    %add3A_44 = arith.addi %mul3A_2, %multiple_of3A_3 : i32
    %add3A_45 = arith.constant 3 : i32
    %add3A_46 = arith.addi %add3A_44, %add3A_45 : i32
    %dma_start3A_47 = arith.constant 0 : i32
    %dma_start3A_48 = tpu.memref_slice %arg6[%squeeze3A_43, %dma_start3A_47] : memref<2x1024xf32, #tpu.memory_space<vmem>> -> memref<1x1024xf32, #tpu.memory_space<vmem>>
    %dma_start3A_49 = arith.constant 0 : i32
    %dma_start3A_50 = tpu.memref_slice %arg4[%add3A_46, %dma_start3A_49] : memref<32768x1024xf32, #tpu.memory_space<hbm>> -> memref<1x1024xf32, #tpu.memory_space<hbm>>
    %dma_start3A_51 = arith.constant 0 : i32
    %dma_start3A_52 = tpu.memref_slice %arg4[%add3A_46, %dma_start3A_51] : memref<32768x1024xf32, #tpu.memory_space<hbm>> -> memref<1x1024xf32, #tpu.memory_space<hbm>>
    %dma_start3A_53 = arith.constant 0 : i32
    %dma_start3A_54 = tpu.memref_slice %arg6[%squeeze3A_43, %dma_start3A_53] : memref<2x1024xf32, #tpu.memory_space<vmem>> -> memref<1x1024xf32, #tpu.memory_space<vmem>>
    tpu.enqueue_dma source(%dma_start3A_54 : memref<1x1024xf32, #tpu.memory_space<vmem>>) target(%dma_start3A_52 : memref<1x1024xf32, #tpu.memory_space<hbm>>) target_semaphore(%arg10 : memref<!tpu.dma_semaphore, #tpu.memory_space<semaphore_mem>>)
    %slice3A_55 = vector.extract_strided_slice %get3A_5 {offsets = [4], sizes = [1], strides = [1]} : vector<16xi32> to vector<1xi32>
    %squeeze3A_56 = vector.extract %slice3A_55[0] : i32 from vector<1xi32>
    %add3A_57 = arith.addi %mul3A_2, %multiple_of3A_3 : i32
    %add3A_58 = arith.constant 4 : i32
    %add3A_59 = arith.addi %add3A_57, %add3A_58 : i32
    %dma_start3A_60 = arith.constant 0 : i32
    %dma_start3A_61 = tpu.memref_slice %arg6[%squeeze3A_56, %dma_start3A_60] : memref<2x1024xf32, #tpu.memory_space<vmem>> -> memref<1x1024xf32, #tpu.memory_space<vmem>>
    %dma_start3A_62 = arith.constant 0 : i32
    %dma_start3A_63 = tpu.memref_slice %arg4[%add3A_59, %dma_start3A_62] : memref<32768x1024xf32, #tpu.memory_space<hbm>> -> memref<1x1024xf32, #tpu.memory_space<hbm>>
    %dma_start3A_64 = arith.constant 0 : i32
    %dma_start3A_65 = tpu.memref_slice %arg4[%add3A_59, %dma_start3A_64] : memref<32768x1024xf32, #tpu.memory_space<hbm>> -> memref<1x1024xf32, #tpu.memory_space<hbm>>
    %dma_start3A_66 = arith.constant 0 : i32
    %dma_start3A_67 = tpu.memref_slice %arg6[%squeeze3A_56, %dma_start3A_66] : memref<2x1024xf32, #tpu.memory_space<vmem>> -> memref<1x1024xf32, #tpu.memory_space<vmem>>
    tpu.enqueue_dma source(%dma_start3A_67 : memref<1x1024xf32, #tpu.memory_space<vmem>>) target(%dma_start3A_65 : memref<1x1024xf32, #tpu.memory_space<hbm>>) target_semaphore(%arg11 : memref<!tpu.dma_semaphore, #tpu.memory_space<semaphore_mem>>)
    %slice3A_68 = vector.extract_strided_slice %get3A_5 {offsets = [5], sizes = [1], strides = [1]} : vector<16xi32> to vector<1xi32>
    %squeeze3A_69 = vector.extract %slice3A_68[0] : i32 from vector<1xi32>
    %add3A_70 = arith.addi %mul3A_2, %multiple_of3A_3 : i32
    %add3A_71 = arith.constant 5 : i32
    %add3A_72 = arith.addi %add3A_70, %add3A_71 : i32
    %dma_start3A_73 = arith.constant 0 : i32
    %dma_start3A_74 = tpu.memref_slice %arg6[%squeeze3A_69, %dma_start3A_73] : memref<2x1024xf32, #tpu.memory_space<vmem>> -> memref<1x1024xf32, #tpu.memory_space<vmem>>
    %dma_start3A_75 = arith.constant 0 : i32
    %dma_start3A_76 = tpu.memref_slice %arg4[%add3A_72, %dma_start3A_75] : memref<32768x1024xf32, #tpu.memory_space<hbm>> -> memref<1x1024xf32, #tpu.memory_space<hbm>>
    %dma_start3A_77 = arith.constant 0 : i32
    %dma_start3A_78 = tpu.memref_slice %arg4[%add3A_72, %dma_start3A_77] : memref<32768x1024xf32, #tpu.memory_space<hbm>> -> memref<1x1024xf32, #tpu.memory_space<hbm>>
    %dma_start3A_79 = arith.constant 0 : i32
    %dma_start3A_80 = tpu.memref_slice %arg6[%squeeze3A_69, %dma_start3A_79] : memref<2x1024xf32, #tpu.memory_space<vmem>> -> memref<1x1024xf32, #tpu.memory_space<vmem>>
    tpu.enqueue_dma source(%dma_start3A_80 : memref<1x1024xf32, #tpu.memory_space<vmem>>) target(%dma_start3A_78 : memref<1x1024xf32, #tpu.memory_space<hbm>>) target_semaphore(%arg12 : memref<!tpu.dma_semaphore, #tpu.memory_space<semaphore_mem>>)
    %slice3A_81 = vector.extract_strided_slice %get3A_5 {offsets = [6], sizes = [1], strides = [1]} : vector<16xi32> to vector<1xi32>
    %squeeze3A_82 = vector.extract %slice3A_81[0] : i32 from vector<1xi32>
    %add3A_83 = arith.addi %mul3A_2, %multiple_of3A_3 : i32
    %add3A_84 = arith.constant 6 : i32
    %add3A_85 = arith.addi %add3A_83, %add3A_84 : i32
    %dma_start3A_86 = arith.constant 0 : i32
    %dma_start3A_87 = tpu.memref_slice %arg6[%squeeze3A_82, %dma_start3A_86] : memref<2x1024xf32, #tpu.memory_space<vmem>> -> memref<1x1024xf32, #tpu.memory_space<vmem>>
    %dma_start3A_88 = arith.constant 0 : i32
    %dma_start3A_89 = tpu.memref_slice %arg4[%add3A_85, %dma_start3A_88] : memref<32768x1024xf32, #tpu.memory_space<hbm>> -> memref<1x1024xf32, #tpu.memory_space<hbm>>
    %dma_start3A_90 = arith.constant 0 : i32
    %dma_start3A_91 = tpu.memref_slice %arg4[%add3A_85, %dma_start3A_90] : memref<32768x1024xf32, #tpu.memory_space<hbm>> -> memref<1x1024xf32, #tpu.memory_space<hbm>>
    %dma_start3A_92 = arith.constant 0 : i32
    %dma_start3A_93 = tpu.memref_slice %arg6[%squeeze3A_82, %dma_start3A_92] : memref<2x1024xf32, #tpu.memory_space<vmem>> -> memref<1x1024xf32, #tpu.memory_space<vmem>>
    tpu.enqueue_dma source(%dma_start3A_93 : memref<1x1024xf32, #tpu.memory_space<vmem>>) target(%dma_start3A_91 : memref<1x1024xf32, #tpu.memory_space<hbm>>) target_semaphore(%arg13 : memref<!tpu.dma_semaphore, #tpu.memory_space<semaphore_mem>>)
    %slice3A_94 = vector.extract_strided_slice %get3A_5 {offsets = [7], sizes = [1], strides = [1]} : vector<16xi32> to vector<1xi32>
    %squeeze3A_95 = vector.extract %slice3A_94[0] : i32 from vector<1xi32>
    %add3A_96 = arith.addi %mul3A_2, %multiple_of3A_3 : i32
    %add3A_97 = arith.constant 7 : i32
    %add3A_98 = arith.addi %add3A_96, %add3A_97 : i32
    %dma_start3A_99 = arith.constant 0 : i32
    %dma_start3A_100 = tpu.memref_slice %arg6[%squeeze3A_95, %dma_start3A_99] : memref<2x1024xf32, #tpu.memory_space<vmem>> -> memref<1x1024xf32, #tpu.memory_space<vmem>>
    %dma_start3A_101 = arith.constant 0 : i32
    %dma_start3A_102 = tpu.memref_slice %arg4[%add3A_98, %dma_start3A_101] : memref<32768x1024xf32, #tpu.memory_space<hbm>> -> memref<1x1024xf32, #tpu.memory_space<hbm>>
    %dma_start3A_103 = arith.constant 0 : i32
    %dma_start3A_104 = tpu.memref_slice %arg4[%add3A_98, %dma_start3A_103] : memref<32768x1024xf32, #tpu.memory_space<hbm>> -> memref<1x1024xf32, #tpu.memory_space<hbm>>
    %dma_start3A_105 = arith.constant 0 : i32
    %dma_start3A_106 = tpu.memref_slice %arg6[%squeeze3A_95, %dma_start3A_105] : memref<2x1024xf32, #tpu.memory_space<vmem>> -> memref<1x1024xf32, #tpu.memory_space<vmem>>
    tpu.enqueue_dma source(%dma_start3A_106 : memref<1x1024xf32, #tpu.memory_space<vmem>>) target(%dma_start3A_104 : memref<1x1024xf32, #tpu.memory_space<hbm>>) target_semaphore(%arg14 : memref<!tpu.dma_semaphore, #tpu.memory_space<semaphore_mem>>)
    %slice3A_107 = vector.extract_strided_slice %get3A_5 {offsets = [8], sizes = [1], strides = [1]} : vector<16xi32> to vector<1xi32>
    %squeeze3A_108 = vector.extract %slice3A_107[0] : i32 from vector<1xi32>
    %add3A_109 = arith.addi %mul3A_2, %multiple_of3A_3 : i32
    %add3A_110 = arith.constant 8 : i32
    %add3A_111 = arith.addi %add3A_109, %add3A_110 : i32
    %dma_start3A_112 = arith.constant 0 : i32
    %dma_start3A_113 = tpu.memref_slice %arg6[%squeeze3A_108, %dma_start3A_112] : memref<2x1024xf32, #tpu.memory_space<vmem>> -> memref<1x1024xf32, #tpu.memory_space<vmem>>
    %dma_start3A_114 = arith.constant 0 : i32
    %dma_start3A_115 = tpu.memref_slice %arg4[%add3A_111, %dma_start3A_114] : memref<32768x1024xf32, #tpu.memory_space<hbm>> -> memref<1x1024xf32, #tpu.memory_space<hbm>>
    %dma_start3A_116 = arith.constant 0 : i32
    %dma_start3A_117 = tpu.memref_slice %arg4[%add3A_111, %dma_start3A_116] : memref<32768x1024xf32, #tpu.memory_space<hbm>> -> memref<1x1024xf32, #tpu.memory_space<hbm>>
    %dma_start3A_118 = arith.constant 0 : i32
    %dma_start3A_119 = tpu.memref_slice %arg6[%squeeze3A_108, %dma_start3A_118] : memref<2x1024xf32, #tpu.memory_space<vmem>> -> memref<1x1024xf32, #tpu.memory_space<vmem>>
    tpu.enqueue_dma source(%dma_start3A_119 : memref<1x1024xf32, #tpu.memory_space<vmem>>) target(%dma_start3A_117 : memref<1x1024xf32, #tpu.memory_space<hbm>>) target_semaphore(%arg15 : memref<!tpu.dma_semaphore, #tpu.memory_space<semaphore_mem>>)
    %slice3A_120 = vector.extract_strided_slice %get3A_5 {offsets = [9], sizes = [1], strides = [1]} : vector<16xi32> to vector<1xi32>
    %squeeze3A_121 = vector.extract %slice3A_120[0] : i32 from vector<1xi32>
    %add3A_122 = arith.addi %mul3A_2, %multiple_of3A_3 : i32
    %add3A_123 = arith.constant 9 : i32
    %add3A_124 = arith.addi %add3A_122, %add3A_123 : i32
    %dma_start3A_125 = arith.constant 0 : i32
    %dma_start3A_126 = tpu.memref_slice %arg6[%squeeze3A_121, %dma_start3A_125] : memref<2x1024xf32, #tpu.memory_space<vmem>> -> memref<1x1024xf32, #tpu.memory_space<vmem>>
    %dma_start3A_127 = arith.constant 0 : i32
    %dma_start3A_128 = tpu.memref_slice %arg4[%add3A_124, %dma_start3A_127] : memref<32768x1024xf32, #tpu.memory_space<hbm>> -> memref<1x1024xf32, #tpu.memory_space<hbm>>
    %dma_start3A_129 = arith.constant 0 : i32
    %dma_start3A_130 = tpu.memref_slice %arg4[%add3A_124, %dma_start3A_129] : memref<32768x1024xf32, #tpu.memory_space<hbm>> -> memref<1x1024xf32, #tpu.memory_space<hbm>>
    %dma_start3A_131 = arith.constant 0 : i32
    %dma_start3A_132 = tpu.memref_slice %arg6[%squeeze3A_121, %dma_start3A_131] : memref<2x1024xf32, #tpu.memory_space<vmem>> -> memref<1x1024xf32, #tpu.memory_space<vmem>>
    tpu.enqueue_dma source(%dma_start3A_132 : memref<1x1024xf32, #tpu.memory_space<vmem>>) target(%dma_start3A_130 : memref<1x1024xf32, #tpu.memory_space<hbm>>) target_semaphore(%arg16 : memref<!tpu.dma_semaphore, #tpu.memory_space<semaphore_mem>>)
    %slice3A_133 = vector.extract_strided_slice %get3A_5 {offsets = [10], sizes = [1], strides = [1]} : vector<16xi32> to vector<1xi32>
    %squeeze3A_134 = vector.extract %slice3A_133[0] : i32 from vector<1xi32>
    %add3A_135 = arith.addi %mul3A_2, %multiple_of3A_3 : i32
    %add3A_136 = arith.constant 10 : i32
    %add3A_137 = arith.addi %add3A_135, %add3A_136 : i32
    %dma_start3A_138 = arith.constant 0 : i32
    %dma_start3A_139 = tpu.memref_slice %arg6[%squeeze3A_134, %dma_start3A_138] : memref<2x1024xf32, #tpu.memory_space<vmem>> -> memref<1x1024xf32, #tpu.memory_space<vmem>>
    %dma_start3A_140 = arith.constant 0 : i32
    %dma_start3A_141 = tpu.memref_slice %arg4[%add3A_137, %dma_start3A_140] : memref<32768x1024xf32, #tpu.memory_space<hbm>> -> memref<1x1024xf32, #tpu.memory_space<hbm>>
    %dma_start3A_142 = arith.constant 0 : i32
    %dma_start3A_143 = tpu.memref_slice %arg4[%add3A_137, %dma_start3A_142] : memref<32768x1024xf32, #tpu.memory_space<hbm>> -> memref<1x1024xf32, #tpu.memory_space<hbm>>
    %dma_start3A_144 = arith.constant 0 : i32
    %dma_start3A_145 = tpu.memref_slice %arg6[%squeeze3A_134, %dma_start3A_144] : memref<2x1024xf32, #tpu.memory_space<vmem>> -> memref<1x1024xf32, #tpu.memory_space<vmem>>
    tpu.enqueue_dma source(%dma_start3A_145 : memref<1x1024xf32, #tpu.memory_space<vmem>>) target(%dma_start3A_143 : memref<1x1024xf32, #tpu.memory_space<hbm>>) target_semaphore(%arg17 : memref<!tpu.dma_semaphore, #tpu.memory_space<semaphore_mem>>)
    %slice3A_146 = vector.extract_strided_slice %get3A_5 {offsets = [11], sizes = [1], strides = [1]} : vector<16xi32> to vector<1xi32>
    %squeeze3A_147 = vector.extract %slice3A_146[0] : i32 from vector<1xi32>
    %add3A_148 = arith.addi %mul3A_2, %multiple_of3A_3 : i32
    %add3A_149 = arith.constant 11 : i32
    %add3A_150 = arith.addi %add3A_148, %add3A_149 : i32
    %dma_start3A_151 = arith.constant 0 : i32
    %dma_start3A_152 = tpu.memref_slice %arg6[%squeeze3A_147, %dma_start3A_151] : memref<2x1024xf32, #tpu.memory_space<vmem>> -> memref<1x1024xf32, #tpu.memory_space<vmem>>
    %dma_start3A_153 = arith.constant 0 : i32
    %dma_start3A_154 = tpu.memref_slice %arg4[%add3A_150, %dma_start3A_153] : memref<32768x1024xf32, #tpu.memory_space<hbm>> -> memref<1x1024xf32, #tpu.memory_space<hbm>>
    %dma_start3A_155 = arith.constant 0 : i32
    %dma_start3A_156 = tpu.memref_slice %arg4[%add3A_150, %dma_start3A_155] : memref<32768x1024xf32, #tpu.memory_space<hbm>> -> memref<1x1024xf32, #tpu.memory_space<hbm>>
    %dma_start3A_157 = arith.constant 0 : i32
    %dma_start3A_158 = tpu.memref_slice %arg6[%squeeze3A_147, %dma_start3A_157] : memref<2x1024xf32, #tpu.memory_space<vmem>> -> memref<1x1024xf32, #tpu.memory_space<vmem>>
    tpu.enqueue_dma source(%dma_start3A_158 : memref<1x1024xf32, #tpu.memory_space<vmem>>) target(%dma_start3A_156 : memref<1x1024xf32, #tpu.memory_space<hbm>>) target_semaphore(%arg18 : memref<!tpu.dma_semaphore, #tpu.memory_space<semaphore_mem>>)
    %slice3A_159 = vector.extract_strided_slice %get3A_5 {offsets = [12], sizes = [1], strides = [1]} : vector<16xi32> to vector<1xi32>
    %squeeze3A_160 = vector.extract %slice3A_159[0] : i32 from vector<1xi32>
    %add3A_161 = arith.addi %mul3A_2, %multiple_of3A_3 : i32
    %add3A_162 = arith.constant 12 : i32
    %add3A_163 = arith.addi %add3A_161, %add3A_162 : i32
    %dma_start3A_164 = arith.constant 0 : i32
    %dma_start3A_165 = tpu.memref_slice %arg6[%squeeze3A_160, %dma_start3A_164] : memref<2x1024xf32, #tpu.memory_space<vmem>> -> memref<1x1024xf32, #tpu.memory_space<vmem>>
    %dma_start3A_166 = arith.constant 0 : i32
    %dma_start3A_167 = tpu.memref_slice %arg4[%add3A_163, %dma_start3A_166] : memref<32768x1024xf32, #tpu.memory_space<hbm>> -> memref<1x1024xf32, #tpu.memory_space<hbm>>
    %dma_start3A_168 = arith.constant 0 : i32
    %dma_start3A_169 = tpu.memref_slice %arg4[%add3A_163, %dma_start3A_168] : memref<32768x1024xf32, #tpu.memory_space<hbm>> -> memref<1x1024xf32, #tpu.memory_space<hbm>>
    %dma_start3A_170 = arith.constant 0 : i32
    %dma_start3A_171 = tpu.memref_slice %arg6[%squeeze3A_160, %dma_start3A_170] : memref<2x1024xf32, #tpu.memory_space<vmem>> -> memref<1x1024xf32, #tpu.memory_space<vmem>>
    tpu.enqueue_dma source(%dma_start3A_171 : memref<1x1024xf32, #tpu.memory_space<vmem>>) target(%dma_start3A_169 : memref<1x1024xf32, #tpu.memory_space<hbm>>) target_semaphore(%arg19 : memref<!tpu.dma_semaphore, #tpu.memory_space<semaphore_mem>>)
    %slice3A_172 = vector.extract_strided_slice %get3A_5 {offsets = [13], sizes = [1], strides = [1]} : vector<16xi32> to vector<1xi32>
    %squeeze3A_173 = vector.extract %slice3A_172[0] : i32 from vector<1xi32>
    %add3A_174 = arith.addi %mul3A_2, %multiple_of3A_3 : i32
    %add3A_175 = arith.constant 13 : i32
    %add3A_176 = arith.addi %add3A_174, %add3A_175 : i32
    %dma_start3A_177 = arith.constant 0 : i32
    %dma_start3A_178 = tpu.memref_slice %arg6[%squeeze3A_173, %dma_start3A_177] : memref<2x1024xf32, #tpu.memory_space<vmem>> -> memref<1x1024xf32, #tpu.memory_space<vmem>>
    %dma_start3A_179 = arith.constant 0 : i32
    %dma_start3A_180 = tpu.memref_slice %arg4[%add3A_176, %dma_start3A_179] : memref<32768x1024xf32, #tpu.memory_space<hbm>> -> memref<1x1024xf32, #tpu.memory_space<hbm>>
    %dma_start3A_181 = arith.constant 0 : i32
    %dma_start3A_182 = tpu.memref_slice %arg4[%add3A_176, %dma_start3A_181] : memref<32768x1024xf32, #tpu.memory_space<hbm>> -> memref<1x1024xf32, #tpu.memory_space<hbm>>
    %dma_start3A_183 = arith.constant 0 : i32
    %dma_start3A_184 = tpu.memref_slice %arg6[%squeeze3A_173, %dma_start3A_183] : memref<2x1024xf32, #tpu.memory_space<vmem>> -> memref<1x1024xf32, #tpu.memory_space<vmem>>
    tpu.enqueue_dma source(%dma_start3A_184 : memref<1x1024xf32, #tpu.memory_space<vmem>>) target(%dma_start3A_182 : memref<1x1024xf32, #tpu.memory_space<hbm>>) target_semaphore(%arg20 : memref<!tpu.dma_semaphore, #tpu.memory_space<semaphore_mem>>)
    %slice3A_185 = vector.extract_strided_slice %get3A_5 {offsets = [14], sizes = [1], strides = [1]} : vector<16xi32> to vector<1xi32>
    %squeeze3A_186 = vector.extract %slice3A_185[0] : i32 from vector<1xi32>
    %add3A_187 = arith.addi %mul3A_2, %multiple_of3A_3 : i32
    %add3A_188 = arith.constant 14 : i32
    %add3A_189 = arith.addi %add3A_187, %add3A_188 : i32
    %dma_start3A_190 = arith.constant 0 : i32
    %dma_start3A_191 = tpu.memref_slice %arg6[%squeeze3A_186, %dma_start3A_190] : memref<2x1024xf32, #tpu.memory_space<vmem>> -> memref<1x1024xf32, #tpu.memory_space<vmem>>
    %dma_start3A_192 = arith.constant 0 : i32
    %dma_start3A_193 = tpu.memref_slice %arg4[%add3A_189, %dma_start3A_192] : memref<32768x1024xf32, #tpu.memory_space<hbm>> -> memref<1x1024xf32, #tpu.memory_space<hbm>>
    %dma_start3A_194 = arith.constant 0 : i32
    %dma_start3A_195 = tpu.memref_slice %arg4[%add3A_189, %dma_start3A_194] : memref<32768x1024xf32, #tpu.memory_space<hbm>> -> memref<1x1024xf32, #tpu.memory_space<hbm>>
    %dma_start3A_196 = arith.constant 0 : i32
    %dma_start3A_197 = tpu.memref_slice %arg6[%squeeze3A_186, %dma_start3A_196] : memref<2x1024xf32, #tpu.memory_space<vmem>> -> memref<1x1024xf32, #tpu.memory_space<vmem>>
    tpu.enqueue_dma source(%dma_start3A_197 : memref<1x1024xf32, #tpu.memory_space<vmem>>) target(%dma_start3A_195 : memref<1x1024xf32, #tpu.memory_space<hbm>>) target_semaphore(%arg21 : memref<!tpu.dma_semaphore, #tpu.memory_space<semaphore_mem>>)
    %slice3A_198 = vector.extract_strided_slice %get3A_5 {offsets = [15], sizes = [1], strides = [1]} : vector<16xi32> to vector<1xi32>
    %squeeze3A_199 = vector.extract %slice3A_198[0] : i32 from vector<1xi32>
    %add3A_200 = arith.addi %mul3A_2, %multiple_of3A_3 : i32
    %add3A_201 = arith.constant 15 : i32
    %add3A_202 = arith.addi %add3A_200, %add3A_201 : i32
    %dma_start3A_203 = arith.constant 0 : i32
    %dma_start3A_204 = tpu.memref_slice %arg6[%squeeze3A_199, %dma_start3A_203] : memref<2x1024xf32, #tpu.memory_space<vmem>> -> memref<1x1024xf32, #tpu.memory_space<vmem>>
    %dma_start3A_205 = arith.constant 0 : i32
    %dma_start3A_206 = tpu.memref_slice %arg4[%add3A_202, %dma_start3A_205] : memref<32768x1024xf32, #tpu.memory_space<hbm>> -> memref<1x1024xf32, #tpu.memory_space<hbm>>
    %dma_start3A_207 = arith.constant 0 : i32
    %dma_start3A_208 = tpu.memref_slice %arg4[%add3A_202, %dma_start3A_207] : memref<32768x1024xf32, #tpu.memory_space<hbm>> -> memref<1x1024xf32, #tpu.memory_space<hbm>>
    %dma_start3A_209 = arith.constant 0 : i32
    %dma_start3A_210 = tpu.memref_slice %arg6[%squeeze3A_199, %dma_start3A_209] : memref<2x1024xf32, #tpu.memory_space<vmem>> -> memref<1x1024xf32, #tpu.memory_space<vmem>>
    tpu.enqueue_dma source(%dma_start3A_210 : memref<1x1024xf32, #tpu.memory_space<vmem>>) target(%dma_start3A_208 : memref<1x1024xf32, #tpu.memory_space<hbm>>) target_semaphore(%arg22 : memref<!tpu.dma_semaphore, #tpu.memory_space<semaphore_mem>>)
    %scan3A = arith.constant 0 : i32
    %scan3A_211 = arith.constant 1 : i32
    %scan3A_212 = arith.constant 63 : i32
    %scan3A_213 = arith.addi %scan3A_211, %scan3A_212 : i32
    %scan3A_214 = arith.constant 1 : i32
    scf.for %scan3A_375 = %scan3A_211 to %scan3A_213 step %scan3A_214  : i32 {
      %mul3A_376 = arith.constant 16 : i32
      %mul3A_377 = arith.muli %scan3A_375, %mul3A_376 : i32
      %multiple_of3A_378 = tpu.assume_multiple %mul3A_377, 16 : i32
      %get3A_379 = arith.index_cast %multiple_of3A_378 : i32 to index
      %get3A_380 = tpu.vector_load %arg5[%get3A_379] {strides = array<i32>} : memref<1024xi32, #tpu.memory_space<vmem>>, vector<16xi32>,
      %get3A_381 = vector.shape_cast %get3A_380 : vector<16xi32> to vector<16xi32>
      %dma_wait3A_382 = arith.constant 0 : i32
      %dma_wait3A_383 = arith.constant 0 : i32
      %dma_wait3A_384 = tpu.memref_slice %arg6[%dma_wait3A_382, %dma_wait3A_383] : memref<2x1024xf32, #tpu.memory_space<vmem>> -> memref<1x1024xf32, #tpu.memory_space<vmem>>
      %dma_wait3A_385 = arith.constant 0 : i32
      %dma_wait3A_386 = tpu.memref_slice %arg4[%mul3A_2, %dma_wait3A_385] : memref<32768x1024xf32, #tpu.memory_space<hbm>> -> memref<1x1024xf32, #tpu.memory_space<hbm>>
      %dma_wait3A_387 = arith.constant 0 : i32
      %dma_wait3A_388 = tpu.memref_slice %arg4[%mul3A_2, %dma_wait3A_387] : memref<32768x1024xf32, #tpu.memory_space<hbm>> -> memref<1x1024xf32, #tpu.memory_space<hbm>>
      %dma_wait3A_389 = arith.constant 0 : i32
      %dma_wait3A_390 = arith.constant 0 : i32
      %dma_wait3A_391 = tpu.memref_slice %arg6[%dma_wait3A_389, %dma_wait3A_390] : memref<2x1024xf32, #tpu.memory_space<vmem>> -> memref<1x1024xf32, #tpu.memory_space<vmem>>
      tpu.wait_dma2 semaphore(%arg7 : memref<!tpu.dma_semaphore, #tpu.memory_space<semaphore_mem>>) src(%dma_wait3A_391 : memref<1x1024xf32, #tpu.memory_space<vmem>>) dst(%dma_wait3A_388 : memref<1x1024xf32, #tpu.memory_space<hbm>>)
      %slice3A_392 = vector.extract_strided_slice %get3A_381 {offsets = [0], sizes = [1], strides = [1]} : vector<16xi32> to vector<1xi32>
      %squeeze3A_393 = vector.extract %slice3A_392[0] : i32 from vector<1xi32>
      %add3A_394 = arith.addi %mul3A_2, %multiple_of3A_378 : i32
      %add3A_395 = arith.constant 0 : i32
      %add3A_396 = arith.addi %add3A_394, %add3A_395 : i32
      %dma_start3A_397 = arith.constant 0 : i32
      %dma_start3A_398 = tpu.memref_slice %arg6[%squeeze3A_393, %dma_start3A_397] : memref<2x1024xf32, #tpu.memory_space<vmem>> -> memref<1x1024xf32, #tpu.memory_space<vmem>>
      %dma_start3A_399 = arith.constant 0 : i32
      %dma_start3A_400 = tpu.memref_slice %arg4[%add3A_396, %dma_start3A_399] : memref<32768x1024xf32, #tpu.memory_space<hbm>> -> memref<1x1024xf32, #tpu.memory_space<hbm>>
      %dma_start3A_401 = arith.constant 0 : i32
      %dma_start3A_402 = tpu.memref_slice %arg4[%add3A_396, %dma_start3A_401] : memref<32768x1024xf32, #tpu.memory_space<hbm>> -> memref<1x1024xf32, #tpu.memory_space<hbm>>
      %dma_start3A_403 = arith.constant 0 : i32
      %dma_start3A_404 = tpu.memref_slice %arg6[%squeeze3A_393, %dma_start3A_403] : memref<2x1024xf32, #tpu.memory_space<vmem>> -> memref<1x1024xf32, #tpu.memory_space<vmem>>
      tpu.enqueue_dma source(%dma_start3A_404 : memref<1x1024xf32, #tpu.memory_space<vmem>>) target(%dma_start3A_402 : memref<1x1024xf32, #tpu.memory_space<hbm>>) target_semaphore(%arg7 : memref<!tpu.dma_semaphore, #tpu.memory_space<semaphore_mem>>)
      %dma_wait3A_405 = arith.constant 0 : i32
      %dma_wait3A_406 = arith.constant 0 : i32
      %dma_wait3A_407 = tpu.memref_slice %arg6[%dma_wait3A_405, %dma_wait3A_406] : memref<2x1024xf32, #tpu.memory_space<vmem>> -> memref<1x1024xf32, #tpu.memory_space<vmem>>
      %dma_wait3A_408 = arith.constant 0 : i32
      %dma_wait3A_409 = tpu.memref_slice %arg4[%mul3A_2, %dma_wait3A_408] : memref<32768x1024xf32, #tpu.memory_space<hbm>> -> memref<1x1024xf32, #tpu.memory_space<hbm>>
      %dma_wait3A_410 = arith.constant 0 : i32
      %dma_wait3A_411 = tpu.memref_slice %arg4[%mul3A_2, %dma_wait3A_410] : memref<32768x1024xf32, #tpu.memory_space<hbm>> -> memref<1x1024xf32, #tpu.memory_space<hbm>>
      %dma_wait3A_412 = arith.constant 0 : i32
      %dma_wait3A_413 = arith.constant 0 : i32
      %dma_wait3A_414 = tpu.memref_slice %arg6[%dma_wait3A_412, %dma_wait3A_413] : memref<2x1024xf32, #tpu.memory_space<vmem>> -> memref<1x1024xf32, #tpu.memory_space<vmem>>
      tpu.wait_dma2 semaphore(%arg8 : memref<!tpu.dma_semaphore, #tpu.memory_space<semaphore_mem>>) src(%dma_wait3A_414 : memref<1x1024xf32, #tpu.memory_space<vmem>>) dst(%dma_wait3A_411 : memref<1x1024xf32, #tpu.memory_space<hbm>>)
      %slice3A_415 = vector.extract_strided_slice %get3A_381 {offsets = [1], sizes = [1], strides = [1]} : vector<16xi32> to vector<1xi32>
      %squeeze3A_416 = vector.extract %slice3A_415[0] : i32 from vector<1xi32>
      %add3A_417 = arith.addi %mul3A_2, %multiple_of3A_378 : i32
      %add3A_418 = arith.constant 1 : i32
      %add3A_419 = arith.addi %add3A_417, %add3A_418 : i32
      %dma_start3A_420 = arith.constant 0 : i32
      %dma_start3A_421 = tpu.memref_slice %arg6[%squeeze3A_416, %dma_start3A_420] : memref<2x1024xf32, #tpu.memory_space<vmem>> -> memref<1x1024xf32, #tpu.memory_space<vmem>>
      %dma_start3A_422 = arith.constant 0 : i32
      %dma_start3A_423 = tpu.memref_slice %arg4[%add3A_419, %dma_start3A_422] : memref<32768x1024xf32, #tpu.memory_space<hbm>> -> memref<1x1024xf32, #tpu.memory_space<hbm>>
      %dma_start3A_424 = arith.constant 0 : i32
      %dma_start3A_425 = tpu.memref_slice %arg4[%add3A_419, %dma_start3A_424] : memref<32768x1024xf32, #tpu.memory_space<hbm>> -> memref<1x1024xf32, #tpu.memory_space<hbm>>
      %dma_start3A_426 = arith.constant 0 : i32
      %dma_start3A_427 = tpu.memref_slice %arg6[%squeeze3A_416, %dma_start3A_426] : memref<2x1024xf32, #tpu.memory_space<vmem>> -> memref<1x1024xf32, #tpu.memory_space<vmem>>
      tpu.enqueue_dma source(%dma_start3A_427 : memref<1x1024xf32, #tpu.memory_space<vmem>>) target(%dma_start3A_425 : memref<1x1024xf32, #tpu.memory_space<hbm>>) target_semaphore(%arg8 : memref<!tpu.dma_semaphore, #tpu.memory_space<semaphore_mem>>)
      %dma_wait3A_428 = arith.constant 0 : i32
      %dma_wait3A_429 = arith.constant 0 : i32
      %dma_wait3A_430 = tpu.memref_slice %arg6[%dma_wait3A_428, %dma_wait3A_429] : memref<2x1024xf32, #tpu.memory_space<vmem>> -> memref<1x1024xf32, #tpu.memory_space<vmem>>
      %dma_wait3A_431 = arith.constant 0 : i32
      %dma_wait3A_432 = tpu.memref_slice %arg4[%mul3A_2, %dma_wait3A_431] : memref<32768x1024xf32, #tpu.memory_space<hbm>> -> memref<1x1024xf32, #tpu.memory_space<hbm>>
      %dma_wait3A_433 = arith.constant 0 : i32
      %dma_wait3A_434 = tpu.memref_slice %arg4[%mul3A_2, %dma_wait3A_433] : memref<32768x1024xf32, #tpu.memory_space<hbm>> -> memref<1x1024xf32, #tpu.memory_space<hbm>>
      %dma_wait3A_435 = arith.constant 0 : i32
      %dma_wait3A_436 = arith.constant 0 : i32
      %dma_wait3A_437 = tpu.memref_slice %arg6[%dma_wait3A_435, %dma_wait3A_436] : memref<2x1024xf32, #tpu.memory_space<vmem>> -> memref<1x1024xf32, #tpu.memory_space<vmem>>
      tpu.wait_dma2 semaphore(%arg9 : memref<!tpu.dma_semaphore, #tpu.memory_space<semaphore_mem>>) src(%dma_wait3A_437 : memref<1x1024xf32, #tpu.memory_space<vmem>>) dst(%dma_wait3A_434 : memref<1x1024xf32, #tpu.memory_space<hbm>>)
      %slice3A_438 = vector.extract_strided_slice %get3A_381 {offsets = [2], sizes = [1], strides = [1]} : vector<16xi32> to vector<1xi32>
      %squeeze3A_439 = vector.extract %slice3A_438[0] : i32 from vector<1xi32>
      %add3A_440 = arith.addi %mul3A_2, %multiple_of3A_378 : i32
      %add3A_441 = arith.constant 2 : i32
      %add3A_442 = arith.addi %add3A_440, %add3A_441 : i32
      %dma_start3A_443 = arith.constant 0 : i32
      %dma_start3A_444 = tpu.memref_slice %arg6[%squeeze3A_439, %dma_start3A_443] : memref<2x1024xf32, #tpu.memory_space<vmem>> -> memref<1x1024xf32, #tpu.memory_space<vmem>>
      %dma_start3A_445 = arith.constant 0 : i32
      %dma_start3A_446 = tpu.memref_slice %arg4[%add3A_442, %dma_start3A_445] : memref<32768x1024xf32, #tpu.memory_space<hbm>> -> memref<1x1024xf32, #tpu.memory_space<hbm>>
      %dma_start3A_447 = arith.constant 0 : i32
      %dma_start3A_448 = tpu.memref_slice %arg4[%add3A_442, %dma_start3A_447] : memref<32768x1024xf32, #tpu.memory_space<hbm>> -> memref<1x1024xf32, #tpu.memory_space<hbm>>
      %dma_start3A_449 = arith.constant 0 : i32
      %dma_start3A_450 = tpu.memref_slice %arg6[%squeeze3A_439, %dma_start3A_449] : memref<2x1024xf32, #tpu.memory_space<vmem>> -> memref<1x1024xf32, #tpu.memory_space<vmem>>
      tpu.enqueue_dma source(%dma_start3A_450 : memref<1x1024xf32, #tpu.memory_space<vmem>>) target(%dma_start3A_448 : memref<1x1024xf32, #tpu.memory_space<hbm>>) target_semaphore(%arg9 : memref<!tpu.dma_semaphore, #tpu.memory_space<semaphore_mem>>)
      %dma_wait3A_451 = arith.constant 0 : i32
      %dma_wait3A_452 = arith.constant 0 : i32
      %dma_wait3A_453 = tpu.memref_slice %arg6[%dma_wait3A_451, %dma_wait3A_452] : memref<2x1024xf32, #tpu.memory_space<vmem>> -> memref<1x1024xf32, #tpu.memory_space<vmem>>
      %dma_wait3A_454 = arith.constant 0 : i32
      %dma_wait3A_455 = tpu.memref_slice %arg4[%mul3A_2, %dma_wait3A_454] : memref<32768x1024xf32, #tpu.memory_space<hbm>> -> memref<1x1024xf32, #tpu.memory_space<hbm>>
      %dma_wait3A_456 = arith.constant 0 : i32
      %dma_wait3A_457 = tpu.memref_slice %arg4[%mul3A_2, %dma_wait3A_456] : memref<32768x1024xf32, #tpu.memory_space<hbm>> -> memref<1x1024xf32, #tpu.memory_space<hbm>>
      %dma_wait3A_458 = arith.constant 0 : i32
      %dma_wait3A_459 = arith.constant 0 : i32
      %dma_wait3A_460 = tpu.memref_slice %arg6[%dma_wait3A_458, %dma_wait3A_459] : memref<2x1024xf32, #tpu.memory_space<vmem>> -> memref<1x1024xf32, #tpu.memory_space<vmem>>
      tpu.wait_dma2 semaphore(%arg10 : memref<!tpu.dma_semaphore, #tpu.memory_space<semaphore_mem>>) src(%dma_wait3A_460 : memref<1x1024xf32, #tpu.memory_space<vmem>>) dst(%dma_wait3A_457 : memref<1x1024xf32, #tpu.memory_space<hbm>>)
      %slice3A_461 = vector.extract_strided_slice %get3A_381 {offsets = [3], sizes = [1], strides = [1]} : vector<16xi32> to vector<1xi32>
      %squeeze3A_462 = vector.extract %slice3A_461[0] : i32 from vector<1xi32>
      %add3A_463 = arith.addi %mul3A_2, %multiple_of3A_378 : i32
      %add3A_464 = arith.constant 3 : i32
      %add3A_465 = arith.addi %add3A_463, %add3A_464 : i32
      %dma_start3A_466 = arith.constant 0 : i32
      %dma_start3A_467 = tpu.memref_slice %arg6[%squeeze3A_462, %dma_start3A_466] : memref<2x1024xf32, #tpu.memory_space<vmem>> -> memref<1x1024xf32, #tpu.memory_space<vmem>>
      %dma_start3A_468 = arith.constant 0 : i32
      %dma_start3A_469 = tpu.memref_slice %arg4[%add3A_465, %dma_start3A_468] : memref<32768x1024xf32, #tpu.memory_space<hbm>> -> memref<1x1024xf32, #tpu.memory_space<hbm>>
      %dma_start3A_470 = arith.constant 0 : i32
      %dma_start3A_471 = tpu.memref_slice %arg4[%add3A_465, %dma_start3A_470] : memref<32768x1024xf32, #tpu.memory_space<hbm>> -> memref<1x1024xf32, #tpu.memory_space<hbm>>
      %dma_start3A_472 = arith.constant 0 : i32
      %dma_start3A_473 = tpu.memref_slice %arg6[%squeeze3A_462, %dma_start3A_472] : memref<2x1024xf32, #tpu.memory_space<vmem>> -> memref<1x1024xf32, #tpu.memory_space<vmem>>
      tpu.enqueue_dma source(%dma_start3A_473 : memref<1x1024xf32, #tpu.memory_space<vmem>>) target(%dma_start3A_471 : memref<1x1024xf32, #tpu.memory_space<hbm>>) target_semaphore(%arg10 : memref<!tpu.dma_semaphore, #tpu.memory_space<semaphore_mem>>)
      %dma_wait3A_474 = arith.constant 0 : i32
      %dma_wait3A_475 = arith.constant 0 : i32
      %dma_wait3A_476 = tpu.memref_slice %arg6[%dma_wait3A_474, %dma_wait3A_475] : memref<2x1024xf32, #tpu.memory_space<vmem>> -> memref<1x1024xf32, #tpu.memory_space<vmem>>
      %dma_wait3A_477 = arith.constant 0 : i32
      %dma_wait3A_478 = tpu.memref_slice %arg4[%mul3A_2, %dma_wait3A_477] : memref<32768x1024xf32, #tpu.memory_space<hbm>> -> memref<1x1024xf32, #tpu.memory_space<hbm>>
      %dma_wait3A_479 = arith.constant 0 : i32
      %dma_wait3A_480 = tpu.memref_slice %arg4[%mul3A_2, %dma_wait3A_479] : memref<32768x1024xf32, #tpu.memory_space<hbm>> -> memref<1x1024xf32, #tpu.memory_space<hbm>>
      %dma_wait3A_481 = arith.constant 0 : i32
      %dma_wait3A_482 = arith.constant 0 : i32
      %dma_wait3A_483 = tpu.memref_slice %arg6[%dma_wait3A_481, %dma_wait3A_482] : memref<2x1024xf32, #tpu.memory_space<vmem>> -> memref<1x1024xf32, #tpu.memory_space<vmem>>
      tpu.wait_dma2 semaphore(%arg11 : memref<!tpu.dma_semaphore, #tpu.memory_space<semaphore_mem>>) src(%dma_wait3A_483 : memref<1x1024xf32, #tpu.memory_space<vmem>>) dst(%dma_wait3A_480 : memref<1x1024xf32, #tpu.memory_space<hbm>>)
      %slice3A_484 = vector.extract_strided_slice %get3A_381 {offsets = [4], sizes = [1], strides = [1]} : vector<16xi32> to vector<1xi32>
      %squeeze3A_485 = vector.extract %slice3A_484[0] : i32 from vector<1xi32>
      %add3A_486 = arith.addi %mul3A_2, %multiple_of3A_378 : i32
      %add3A_487 = arith.constant 4 : i32
      %add3A_488 = arith.addi %add3A_486, %add3A_487 : i32
      %dma_start3A_489 = arith.constant 0 : i32
      %dma_start3A_490 = tpu.memref_slice %arg6[%squeeze3A_485, %dma_start3A_489] : memref<2x1024xf32, #tpu.memory_space<vmem>> -> memref<1x1024xf32, #tpu.memory_space<vmem>>
      %dma_start3A_491 = arith.constant 0 : i32
      %dma_start3A_492 = tpu.memref_slice %arg4[%add3A_488, %dma_start3A_491] : memref<32768x1024xf32, #tpu.memory_space<hbm>> -> memref<1x1024xf32, #tpu.memory_space<hbm>>
      %dma_start3A_493 = arith.constant 0 : i32
      %dma_start3A_494 = tpu.memref_slice %arg4[%add3A_488, %dma_start3A_493] : memref<32768x1024xf32, #tpu.memory_space<hbm>> -> memref<1x1024xf32, #tpu.memory_space<hbm>>
      %dma_start3A_495 = arith.constant 0 : i32
      %dma_start3A_496 = tpu.memref_slice %arg6[%squeeze3A_485, %dma_start3A_495] : memref<2x1024xf32, #tpu.memory_space<vmem>> -> memref<1x1024xf32, #tpu.memory_space<vmem>>
      tpu.enqueue_dma source(%dma_start3A_496 : memref<1x1024xf32, #tpu.memory_space<vmem>>) target(%dma_start3A_494 : memref<1x1024xf32, #tpu.memory_space<hbm>>) target_semaphore(%arg11 : memref<!tpu.dma_semaphore, #tpu.memory_space<semaphore_mem>>)
      %dma_wait3A_497 = arith.constant 0 : i32
      %dma_wait3A_498 = arith.constant 0 : i32
      %dma_wait3A_499 = tpu.memref_slice %arg6[%dma_wait3A_497, %dma_wait3A_498] : memref<2x1024xf32, #tpu.memory_space<vmem>> -> memref<1x1024xf32, #tpu.memory_space<vmem>>
      %dma_wait3A_500 = arith.constant 0 : i32
      %dma_wait3A_501 = tpu.memref_slice %arg4[%mul3A_2, %dma_wait3A_500] : memref<32768x1024xf32, #tpu.memory_space<hbm>> -> memref<1x1024xf32, #tpu.memory_space<hbm>>
      %dma_wait3A_502 = arith.constant 0 : i32
      %dma_wait3A_503 = tpu.memref_slice %arg4[%mul3A_2, %dma_wait3A_502] : memref<32768x1024xf32, #tpu.memory_space<hbm>> -> memref<1x1024xf32, #tpu.memory_space<hbm>>
      %dma_wait3A_504 = arith.constant 0 : i32
      %dma_wait3A_505 = arith.constant 0 : i32
      %dma_wait3A_506 = tpu.memref_slice %arg6[%dma_wait3A_504, %dma_wait3A_505] : memref<2x1024xf32, #tpu.memory_space<vmem>> -> memref<1x1024xf32, #tpu.memory_space<vmem>>
      tpu.wait_dma2 semaphore(%arg12 : memref<!tpu.dma_semaphore, #tpu.memory_space<semaphore_mem>>) src(%dma_wait3A_506 : memref<1x1024xf32, #tpu.memory_space<vmem>>) dst(%dma_wait3A_503 : memref<1x1024xf32, #tpu.memory_space<hbm>>)
      %slice3A_507 = vector.extract_strided_slice %get3A_381 {offsets = [5], sizes = [1], strides = [1]} : vector<16xi32> to vector<1xi32>
      %squeeze3A_508 = vector.extract %slice3A_507[0] : i32 from vector<1xi32>
      %add3A_509 = arith.addi %mul3A_2, %multiple_of3A_378 : i32
      %add3A_510 = arith.constant 5 : i32
      %add3A_511 = arith.addi %add3A_509, %add3A_510 : i32
      %dma_start3A_512 = arith.constant 0 : i32
      %dma_start3A_513 = tpu.memref_slice %arg6[%squeeze3A_508, %dma_start3A_512] : memref<2x1024xf32, #tpu.memory_space<vmem>> -> memref<1x1024xf32, #tpu.memory_space<vmem>>
      %dma_start3A_514 = arith.constant 0 : i32
      %dma_start3A_515 = tpu.memref_slice %arg4[%add3A_511, %dma_start3A_514] : memref<32768x1024xf32, #tpu.memory_space<hbm>> -> memref<1x1024xf32, #tpu.memory_space<hbm>>
      %dma_start3A_516 = arith.constant 0 : i32
      %dma_start3A_517 = tpu.memref_slice %arg4[%add3A_511, %dma_start3A_516] : memref<32768x1024xf32, #tpu.memory_space<hbm>> -> memref<1x1024xf32, #tpu.memory_space<hbm>>
      %dma_start3A_518 = arith.constant 0 : i32
      %dma_start3A_519 = tpu.memref_slice %arg6[%squeeze3A_508, %dma_start3A_518] : memref<2x1024xf32, #tpu.memory_space<vmem>> -> memref<1x1024xf32, #tpu.memory_space<vmem>>
      tpu.enqueue_dma source(%dma_start3A_519 : memref<1x1024xf32, #tpu.memory_space<vmem>>) target(%dma_start3A_517 : memref<1x1024xf32, #tpu.memory_space<hbm>>) target_semaphore(%arg12 : memref<!tpu.dma_semaphore, #tpu.memory_space<semaphore_mem>>)
      %dma_wait3A_520 = arith.constant 0 : i32
      %dma_wait3A_521 = arith.constant 0 : i32
      %dma_wait3A_522 = tpu.memref_slice %arg6[%dma_wait3A_520, %dma_wait3A_521] : memref<2x1024xf32, #tpu.memory_space<vmem>> -> memref<1x1024xf32, #tpu.memory_space<vmem>>
      %dma_wait3A_523 = arith.constant 0 : i32
      %dma_wait3A_524 = tpu.memref_slice %arg4[%mul3A_2, %dma_wait3A_523] : memref<32768x1024xf32, #tpu.memory_space<hbm>> -> memref<1x1024xf32, #tpu.memory_space<hbm>>
      %dma_wait3A_525 = arith.constant 0 : i32
      %dma_wait3A_526 = tpu.memref_slice %arg4[%mul3A_2, %dma_wait3A_525] : memref<32768x1024xf32, #tpu.memory_space<hbm>> -> memref<1x1024xf32, #tpu.memory_space<hbm>>
      %dma_wait3A_527 = arith.constant 0 : i32
      %dma_wait3A_528 = arith.constant 0 : i32
      %dma_wait3A_529 = tpu.memref_slice %arg6[%dma_wait3A_527, %dma_wait3A_528] : memref<2x1024xf32, #tpu.memory_space<vmem>> -> memref<1x1024xf32, #tpu.memory_space<vmem>>
      tpu.wait_dma2 semaphore(%arg13 : memref<!tpu.dma_semaphore, #tpu.memory_space<semaphore_mem>>) src(%dma_wait3A_529 : memref<1x1024xf32, #tpu.memory_space<vmem>>) dst(%dma_wait3A_526 : memref<1x1024xf32, #tpu.memory_space<hbm>>)
      %slice3A_530 = vector.extract_strided_slice %get3A_381 {offsets = [6], sizes = [1], strides = [1]} : vector<16xi32> to vector<1xi32>
      %squeeze3A_531 = vector.extract %slice3A_530[0] : i32 from vector<1xi32>
      %add3A_532 = arith.addi %mul3A_2, %multiple_of3A_378 : i32
      %add3A_533 = arith.constant 6 : i32
      %add3A_534 = arith.addi %add3A_532, %add3A_533 : i32
      %dma_start3A_535 = arith.constant 0 : i32
      %dma_start3A_536 = tpu.memref_slice %arg6[%squeeze3A_531, %dma_start3A_535] : memref<2x1024xf32, #tpu.memory_space<vmem>> -> memref<1x1024xf32, #tpu.memory_space<vmem>>
      %dma_start3A_537 = arith.constant 0 : i32
      %dma_start3A_538 = tpu.memref_slice %arg4[%add3A_534, %dma_start3A_537] : memref<32768x1024xf32, #tpu.memory_space<hbm>> -> memref<1x1024xf32, #tpu.memory_space<hbm>>
      %dma_start3A_539 = arith.constant 0 : i32
      %dma_start3A_540 = tpu.memref_slice %arg4[%add3A_534, %dma_start3A_539] : memref<32768x1024xf32, #tpu.memory_space<hbm>> -> memref<1x1024xf32, #tpu.memory_space<hbm>>
      %dma_start3A_541 = arith.constant 0 : i32
      %dma_start3A_542 = tpu.memref_slice %arg6[%squeeze3A_531, %dma_start3A_541] : memref<2x1024xf32, #tpu.memory_space<vmem>> -> memref<1x1024xf32, #tpu.memory_space<vmem>>
      tpu.enqueue_dma source(%dma_start3A_542 : memref<1x1024xf32, #tpu.memory_space<vmem>>) target(%dma_start3A_540 : memref<1x1024xf32, #tpu.memory_space<hbm>>) target_semaphore(%arg13 : memref<!tpu.dma_semaphore, #tpu.memory_space<semaphore_mem>>)
      %dma_wait3A_543 = arith.constant 0 : i32
      %dma_wait3A_544 = arith.constant 0 : i32
      %dma_wait3A_545 = tpu.memref_slice %arg6[%dma_wait3A_543, %dma_wait3A_544] : memref<2x1024xf32, #tpu.memory_space<vmem>> -> memref<1x1024xf32, #tpu.memory_space<vmem>>
      %dma_wait3A_546 = arith.constant 0 : i32
      %dma_wait3A_547 = tpu.memref_slice %arg4[%mul3A_2, %dma_wait3A_546] : memref<32768x1024xf32, #tpu.memory_space<hbm>> -> memref<1x1024xf32, #tpu.memory_space<hbm>>
      %dma_wait3A_548 = arith.constant 0 : i32
      %dma_wait3A_549 = tpu.memref_slice %arg4[%mul3A_2, %dma_wait3A_548] : memref<32768x1024xf32, #tpu.memory_space<hbm>> -> memref<1x1024xf32, #tpu.memory_space<hbm>>
      %dma_wait3A_550 = arith.constant 0 : i32
      %dma_wait3A_551 = arith.constant 0 : i32
      %dma_wait3A_552 = tpu.memref_slice %arg6[%dma_wait3A_550, %dma_wait3A_551] : memref<2x1024xf32, #tpu.memory_space<vmem>> -> memref<1x1024xf32, #tpu.memory_space<vmem>>
      tpu.wait_dma2 semaphore(%arg14 : memref<!tpu.dma_semaphore, #tpu.memory_space<semaphore_mem>>) src(%dma_wait3A_552 : memref<1x1024xf32, #tpu.memory_space<vmem>>) dst(%dma_wait3A_549 : memref<1x1024xf32, #tpu.memory_space<hbm>>)
      %slice3A_553 = vector.extract_strided_slice %get3A_381 {offsets = [7], sizes = [1], strides = [1]} : vector<16xi32> to vector<1xi32>
      %squeeze3A_554 = vector.extract %slice3A_553[0] : i32 from vector<1xi32>
      %add3A_555 = arith.addi %mul3A_2, %multiple_of3A_378 : i32
      %add3A_556 = arith.constant 7 : i32
      %add3A_557 = arith.addi %add3A_555, %add3A_556 : i32
      %dma_start3A_558 = arith.constant 0 : i32
      %dma_start3A_559 = tpu.memref_slice %arg6[%squeeze3A_554, %dma_start3A_558] : memref<2x1024xf32, #tpu.memory_space<vmem>> -> memref<1x1024xf32, #tpu.memory_space<vmem>>
      %dma_start3A_560 = arith.constant 0 : i32
      %dma_start3A_561 = tpu.memref_slice %arg4[%add3A_557, %dma_start3A_560] : memref<32768x1024xf32, #tpu.memory_space<hbm>> -> memref<1x1024xf32, #tpu.memory_space<hbm>>
      %dma_start3A_562 = arith.constant 0 : i32
      %dma_start3A_563 = tpu.memref_slice %arg4[%add3A_557, %dma_start3A_562] : memref<32768x1024xf32, #tpu.memory_space<hbm>> -> memref<1x1024xf32, #tpu.memory_space<hbm>>
      %dma_start3A_564 = arith.constant 0 : i32
      %dma_start3A_565 = tpu.memref_slice %arg6[%squeeze3A_554, %dma_start3A_564] : memref<2x1024xf32, #tpu.memory_space<vmem>> -> memref<1x1024xf32, #tpu.memory_space<vmem>>
      tpu.enqueue_dma source(%dma_start3A_565 : memref<1x1024xf32, #tpu.memory_space<vmem>>) target(%dma_start3A_563 : memref<1x1024xf32, #tpu.memory_space<hbm>>) target_semaphore(%arg14 : memref<!tpu.dma_semaphore, #tpu.memory_space<semaphore_mem>>)
      %dma_wait3A_566 = arith.constant 0 : i32
      %dma_wait3A_567 = arith.constant 0 : i32
      %dma_wait3A_568 = tpu.memref_slice %arg6[%dma_wait3A_566, %dma_wait3A_567] : memref<2x1024xf32, #tpu.memory_space<vmem>> -> memref<1x1024xf32, #tpu.memory_space<vmem>>
      %dma_wait3A_569 = arith.constant 0 : i32
      %dma_wait3A_570 = tpu.memref_slice %arg4[%mul3A_2, %dma_wait3A_569] : memref<32768x1024xf32, #tpu.memory_space<hbm>> -> memref<1x1024xf32, #tpu.memory_space<hbm>>
      %dma_wait3A_571 = arith.constant 0 : i32
      %dma_wait3A_572 = tpu.memref_slice %arg4[%mul3A_2, %dma_wait3A_571] : memref<32768x1024xf32, #tpu.memory_space<hbm>> -> memref<1x1024xf32, #tpu.memory_space<hbm>>
      %dma_wait3A_573 = arith.constant 0 : i32
      %dma_wait3A_574 = arith.constant 0 : i32
      %dma_wait3A_575 = tpu.memref_slice %arg6[%dma_wait3A_573, %dma_wait3A_574] : memref<2x1024xf32, #tpu.memory_space<vmem>> -> memref<1x1024xf32, #tpu.memory_space<vmem>>
      tpu.wait_dma2 semaphore(%arg15 : memref<!tpu.dma_semaphore, #tpu.memory_space<semaphore_mem>>) src(%dma_wait3A_575 : memref<1x1024xf32, #tpu.memory_space<vmem>>) dst(%dma_wait3A_572 : memref<1x1024xf32, #tpu.memory_space<hbm>>)
      %slice3A_576 = vector.extract_strided_slice %get3A_381 {offsets = [8], sizes = [1], strides = [1]} : vector<16xi32> to vector<1xi32>
      %squeeze3A_577 = vector.extract %slice3A_576[0] : i32 from vector<1xi32>
      %add3A_578 = arith.addi %mul3A_2, %multiple_of3A_378 : i32
      %add3A_579 = arith.constant 8 : i32
      %add3A_580 = arith.addi %add3A_578, %add3A_579 : i32
      %dma_start3A_581 = arith.constant 0 : i32
      %dma_start3A_582 = tpu.memref_slice %arg6[%squeeze3A_577, %dma_start3A_581] : memref<2x1024xf32, #tpu.memory_space<vmem>> -> memref<1x1024xf32, #tpu.memory_space<vmem>>
      %dma_start3A_583 = arith.constant 0 : i32
      %dma_start3A_584 = tpu.memref_slice %arg4[%add3A_580, %dma_start3A_583] : memref<32768x1024xf32, #tpu.memory_space<hbm>> -> memref<1x1024xf32, #tpu.memory_space<hbm>>
      %dma_start3A_585 = arith.constant 0 : i32
      %dma_start3A_586 = tpu.memref_slice %arg4[%add3A_580, %dma_start3A_585] : memref<32768x1024xf32, #tpu.memory_space<hbm>> -> memref<1x1024xf32, #tpu.memory_space<hbm>>
      %dma_start3A_587 = arith.constant 0 : i32
      %dma_start3A_588 = tpu.memref_slice %arg6[%squeeze3A_577, %dma_start3A_587] : memref<2x1024xf32, #tpu.memory_space<vmem>> -> memref<1x1024xf32, #tpu.memory_space<vmem>>
      tpu.enqueue_dma source(%dma_start3A_588 : memref<1x1024xf32, #tpu.memory_space<vmem>>) target(%dma_start3A_586 : memref<1x1024xf32, #tpu.memory_space<hbm>>) target_semaphore(%arg15 : memref<!tpu.dma_semaphore, #tpu.memory_space<semaphore_mem>>)
      %dma_wait3A_589 = arith.constant 0 : i32
      %dma_wait3A_590 = arith.constant 0 : i32
      %dma_wait3A_591 = tpu.memref_slice %arg6[%dma_wait3A_589, %dma_wait3A_590] : memref<2x1024xf32, #tpu.memory_space<vmem>> -> memref<1x1024xf32, #tpu.memory_space<vmem>>
      %dma_wait3A_592 = arith.constant 0 : i32
      %dma_wait3A_593 = tpu.memref_slice %arg4[%mul3A_2, %dma_wait3A_592] : memref<32768x1024xf32, #tpu.memory_space<hbm>> -> memref<1x1024xf32, #tpu.memory_space<hbm>>
      %dma_wait3A_594 = arith.constant 0 : i32
      %dma_wait3A_595 = tpu.memref_slice %arg4[%mul3A_2, %dma_wait3A_594] : memref<32768x1024xf32, #tpu.memory_space<hbm>> -> memref<1x1024xf32, #tpu.memory_space<hbm>>
      %dma_wait3A_596 = arith.constant 0 : i32
      %dma_wait3A_597 = arith.constant 0 : i32
      %dma_wait3A_598 = tpu.memref_slice %arg6[%dma_wait3A_596, %dma_wait3A_597] : memref<2x1024xf32, #tpu.memory_space<vmem>> -> memref<1x1024xf32, #tpu.memory_space<vmem>>
      tpu.wait_dma2 semaphore(%arg16 : memref<!tpu.dma_semaphore, #tpu.memory_space<semaphore_mem>>) src(%dma_wait3A_598 : memref<1x1024xf32, #tpu.memory_space<vmem>>) dst(%dma_wait3A_595 : memref<1x1024xf32, #tpu.memory_space<hbm>>)
      %slice3A_599 = vector.extract_strided_slice %get3A_381 {offsets = [9], sizes = [1], strides = [1]} : vector<16xi32> to vector<1xi32>
      %squeeze3A_600 = vector.extract %slice3A_599[0] : i32 from vector<1xi32>
      %add3A_601 = arith.addi %mul3A_2, %multiple_of3A_378 : i32
      %add3A_602 = arith.constant 9 : i32
      %add3A_603 = arith.addi %add3A_601, %add3A_602 : i32
      %dma_start3A_604 = arith.constant 0 : i32
      %dma_start3A_605 = tpu.memref_slice %arg6[%squeeze3A_600, %dma_start3A_604] : memref<2x1024xf32, #tpu.memory_space<vmem>> -> memref<1x1024xf32, #tpu.memory_space<vmem>>
      %dma_start3A_606 = arith.constant 0 : i32
      %dma_start3A_607 = tpu.memref_slice %arg4[%add3A_603, %dma_start3A_606] : memref<32768x1024xf32, #tpu.memory_space<hbm>> -> memref<1x1024xf32, #tpu.memory_space<hbm>>
      %dma_start3A_608 = arith.constant 0 : i32
      %dma_start3A_609 = tpu.memref_slice %arg4[%add3A_603, %dma_start3A_608] : memref<32768x1024xf32, #tpu.memory_space<hbm>> -> memref<1x1024xf32, #tpu.memory_space<hbm>>
      %dma_start3A_610 = arith.constant 0 : i32
      %dma_start3A_611 = tpu.memref_slice %arg6[%squeeze3A_600, %dma_start3A_610] : memref<2x1024xf32, #tpu.memory_space<vmem>> -> memref<1x1024xf32, #tpu.memory_space<vmem>>
      tpu.enqueue_dma source(%dma_start3A_611 : memref<1x1024xf32, #tpu.memory_space<vmem>>) target(%dma_start3A_609 : memref<1x1024xf32, #tpu.memory_space<hbm>>) target_semaphore(%arg16 : memref<!tpu.dma_semaphore, #tpu.memory_space<semaphore_mem>>)
      %dma_wait3A_612 = arith.constant 0 : i32
      %dma_wait3A_613 = arith.constant 0 : i32
      %dma_wait3A_614 = tpu.memref_slice %arg6[%dma_wait3A_612, %dma_wait3A_613] : memref<2x1024xf32, #tpu.memory_space<vmem>> -> memref<1x1024xf32, #tpu.memory_space<vmem>>
      %dma_wait3A_615 = arith.constant 0 : i32
      %dma_wait3A_616 = tpu.memref_slice %arg4[%mul3A_2, %dma_wait3A_615] : memref<32768x1024xf32, #tpu.memory_space<hbm>> -> memref<1x1024xf32, #tpu.memory_space<hbm>>
      %dma_wait3A_617 = arith.constant 0 : i32
      %dma_wait3A_618 = tpu.memref_slice %arg4[%mul3A_2, %dma_wait3A_617] : memref<32768x1024xf32, #tpu.memory_space<hbm>> -> memref<1x1024xf32, #tpu.memory_space<hbm>>
      %dma_wait3A_619 = arith.constant 0 : i32
      %dma_wait3A_620 = arith.constant 0 : i32
      %dma_wait3A_621 = tpu.memref_slice %arg6[%dma_wait3A_619, %dma_wait3A_620] : memref<2x1024xf32, #tpu.memory_space<vmem>> -> memref<1x1024xf32, #tpu.memory_space<vmem>>
      tpu.wait_dma2 semaphore(%arg17 : memref<!tpu.dma_semaphore, #tpu.memory_space<semaphore_mem>>) src(%dma_wait3A_621 : memref<1x1024xf32, #tpu.memory_space<vmem>>) dst(%dma_wait3A_618 : memref<1x1024xf32, #tpu.memory_space<hbm>>)
      %slice3A_622 = vector.extract_strided_slice %get3A_381 {offsets = [10], sizes = [1], strides = [1]} : vector<16xi32> to vector<1xi32>
      %squeeze3A_623 = vector.extract %slice3A_622[0] : i32 from vector<1xi32>
      %add3A_624 = arith.addi %mul3A_2, %multiple_of3A_378 : i32
      %add3A_625 = arith.constant 10 : i32
      %add3A_626 = arith.addi %add3A_624, %add3A_625 : i32
      %dma_start3A_627 = arith.constant 0 : i32
      %dma_start3A_628 = tpu.memref_slice %arg6[%squeeze3A_623, %dma_start3A_627] : memref<2x1024xf32, #tpu.memory_space<vmem>> -> memref<1x1024xf32, #tpu.memory_space<vmem>>
      %dma_start3A_629 = arith.constant 0 : i32
      %dma_start3A_630 = tpu.memref_slice %arg4[%add3A_626, %dma_start3A_629] : memref<32768x1024xf32, #tpu.memory_space<hbm>> -> memref<1x1024xf32, #tpu.memory_space<hbm>>
      %dma_start3A_631 = arith.constant 0 : i32
      %dma_start3A_632 = tpu.memref_slice %arg4[%add3A_626, %dma_start3A_631] : memref<32768x1024xf32, #tpu.memory_space<hbm>> -> memref<1x1024xf32, #tpu.memory_space<hbm>>
      %dma_start3A_633 = arith.constant 0 : i32
      %dma_start3A_634 = tpu.memref_slice %arg6[%squeeze3A_623, %dma_start3A_633] : memref<2x1024xf32, #tpu.memory_space<vmem>> -> memref<1x1024xf32, #tpu.memory_space<vmem>>
      tpu.enqueue_dma source(%dma_start3A_634 : memref<1x1024xf32, #tpu.memory_space<vmem>>) target(%dma_start3A_632 : memref<1x1024xf32, #tpu.memory_space<hbm>>) target_semaphore(%arg17 : memref<!tpu.dma_semaphore, #tpu.memory_space<semaphore_mem>>)
      %dma_wait3A_635 = arith.constant 0 : i32
      %dma_wait3A_636 = arith.constant 0 : i32
      %dma_wait3A_637 = tpu.memref_slice %arg6[%dma_wait3A_635, %dma_wait3A_636] : memref<2x1024xf32, #tpu.memory_space<vmem>> -> memref<1x1024xf32, #tpu.memory_space<vmem>>
      %dma_wait3A_638 = arith.constant 0 : i32
      %dma_wait3A_639 = tpu.memref_slice %arg4[%mul3A_2, %dma_wait3A_638] : memref<32768x1024xf32, #tpu.memory_space<hbm>> -> memref<1x1024xf32, #tpu.memory_space<hbm>>
      %dma_wait3A_640 = arith.constant 0 : i32
      %dma_wait3A_641 = tpu.memref_slice %arg4[%mul3A_2, %dma_wait3A_640] : memref<32768x1024xf32, #tpu.memory_space<hbm>> -> memref<1x1024xf32, #tpu.memory_space<hbm>>
      %dma_wait3A_642 = arith.constant 0 : i32
      %dma_wait3A_643 = arith.constant 0 : i32
      %dma_wait3A_644 = tpu.memref_slice %arg6[%dma_wait3A_642, %dma_wait3A_643] : memref<2x1024xf32, #tpu.memory_space<vmem>> -> memref<1x1024xf32, #tpu.memory_space<vmem>>
      tpu.wait_dma2 semaphore(%arg18 : memref<!tpu.dma_semaphore, #tpu.memory_space<semaphore_mem>>) src(%dma_wait3A_644 : memref<1x1024xf32, #tpu.memory_space<vmem>>) dst(%dma_wait3A_641 : memref<1x1024xf32, #tpu.memory_space<hbm>>)
      %slice3A_645 = vector.extract_strided_slice %get3A_381 {offsets = [11], sizes = [1], strides = [1]} : vector<16xi32> to vector<1xi32>
      %squeeze3A_646 = vector.extract %slice3A_645[0] : i32 from vector<1xi32>
      %add3A_647 = arith.addi %mul3A_2, %multiple_of3A_378 : i32
      %add3A_648 = arith.constant 11 : i32
      %add3A_649 = arith.addi %add3A_647, %add3A_648 : i32
      %dma_start3A_650 = arith.constant 0 : i32
      %dma_start3A_651 = tpu.memref_slice %arg6[%squeeze3A_646, %dma_start3A_650] : memref<2x1024xf32, #tpu.memory_space<vmem>> -> memref<1x1024xf32, #tpu.memory_space<vmem>>
      %dma_start3A_652 = arith.constant 0 : i32
      %dma_start3A_653 = tpu.memref_slice %arg4[%add3A_649, %dma_start3A_652] : memref<32768x1024xf32, #tpu.memory_space<hbm>> -> memref<1x1024xf32, #tpu.memory_space<hbm>>
      %dma_start3A_654 = arith.constant 0 : i32
      %dma_start3A_655 = tpu.memref_slice %arg4[%add3A_649, %dma_start3A_654] : memref<32768x1024xf32, #tpu.memory_space<hbm>> -> memref<1x1024xf32, #tpu.memory_space<hbm>>
      %dma_start3A_656 = arith.constant 0 : i32
      %dma_start3A_657 = tpu.memref_slice %arg6[%squeeze3A_646, %dma_start3A_656] : memref<2x1024xf32, #tpu.memory_space<vmem>> -> memref<1x1024xf32, #tpu.memory_space<vmem>>
      tpu.enqueue_dma source(%dma_start3A_657 : memref<1x1024xf32, #tpu.memory_space<vmem>>) target(%dma_start3A_655 : memref<1x1024xf32, #tpu.memory_space<hbm>>) target_semaphore(%arg18 : memref<!tpu.dma_semaphore, #tpu.memory_space<semaphore_mem>>)
      %dma_wait3A_658 = arith.constant 0 : i32
      %dma_wait3A_659 = arith.constant 0 : i32
      %dma_wait3A_660 = tpu.memref_slice %arg6[%dma_wait3A_658, %dma_wait3A_659] : memref<2x1024xf32, #tpu.memory_space<vmem>> -> memref<1x1024xf32, #tpu.memory_space<vmem>>
      %dma_wait3A_661 = arith.constant 0 : i32
      %dma_wait3A_662 = tpu.memref_slice %arg4[%mul3A_2, %dma_wait3A_661] : memref<32768x1024xf32, #tpu.memory_space<hbm>> -> memref<1x1024xf32, #tpu.memory_space<hbm>>
      %dma_wait3A_663 = arith.constant 0 : i32
      %dma_wait3A_664 = tpu.memref_slice %arg4[%mul3A_2, %dma_wait3A_663] : memref<32768x1024xf32, #tpu.memory_space<hbm>> -> memref<1x1024xf32, #tpu.memory_space<hbm>>
      %dma_wait3A_665 = arith.constant 0 : i32
      %dma_wait3A_666 = arith.constant 0 : i32
      %dma_wait3A_667 = tpu.memref_slice %arg6[%dma_wait3A_665, %dma_wait3A_666] : memref<2x1024xf32, #tpu.memory_space<vmem>> -> memref<1x1024xf32, #tpu.memory_space<vmem>>
      tpu.wait_dma2 semaphore(%arg19 : memref<!tpu.dma_semaphore, #tpu.memory_space<semaphore_mem>>) src(%dma_wait3A_667 : memref<1x1024xf32, #tpu.memory_space<vmem>>) dst(%dma_wait3A_664 : memref<1x1024xf32, #tpu.memory_space<hbm>>)
      %slice3A_668 = vector.extract_strided_slice %get3A_381 {offsets = [12], sizes = [1], strides = [1]} : vector<16xi32> to vector<1xi32>
      %squeeze3A_669 = vector.extract %slice3A_668[0] : i32 from vector<1xi32>
      %add3A_670 = arith.addi %mul3A_2, %multiple_of3A_378 : i32
      %add3A_671 = arith.constant 12 : i32
      %add3A_672 = arith.addi %add3A_670, %add3A_671 : i32
      %dma_start3A_673 = arith.constant 0 : i32
      %dma_start3A_674 = tpu.memref_slice %arg6[%squeeze3A_669, %dma_start3A_673] : memref<2x1024xf32, #tpu.memory_space<vmem>> -> memref<1x1024xf32, #tpu.memory_space<vmem>>
      %dma_start3A_675 = arith.constant 0 : i32
      %dma_start3A_676 = tpu.memref_slice %arg4[%add3A_672, %dma_start3A_675] : memref<32768x1024xf32, #tpu.memory_space<hbm>> -> memref<1x1024xf32, #tpu.memory_space<hbm>>
      %dma_start3A_677 = arith.constant 0 : i32
      %dma_start3A_678 = tpu.memref_slice %arg4[%add3A_672, %dma_start3A_677] : memref<32768x1024xf32, #tpu.memory_space<hbm>> -> memref<1x1024xf32, #tpu.memory_space<hbm>>
      %dma_start3A_679 = arith.constant 0 : i32
      %dma_start3A_680 = tpu.memref_slice %arg6[%squeeze3A_669, %dma_start3A_679] : memref<2x1024xf32, #tpu.memory_space<vmem>> -> memref<1x1024xf32, #tpu.memory_space<vmem>>
      tpu.enqueue_dma source(%dma_start3A_680 : memref<1x1024xf32, #tpu.memory_space<vmem>>) target(%dma_start3A_678 : memref<1x1024xf32, #tpu.memory_space<hbm>>) target_semaphore(%arg19 : memref<!tpu.dma_semaphore, #tpu.memory_space<semaphore_mem>>)
      %dma_wait3A_681 = arith.constant 0 : i32
      %dma_wait3A_682 = arith.constant 0 : i32
      %dma_wait3A_683 = tpu.memref_slice %arg6[%dma_wait3A_681, %dma_wait3A_682] : memref<2x1024xf32, #tpu.memory_space<vmem>> -> memref<1x1024xf32, #tpu.memory_space<vmem>>
      %dma_wait3A_684 = arith.constant 0 : i32
      %dma_wait3A_685 = tpu.memref_slice %arg4[%mul3A_2, %dma_wait3A_684] : memref<32768x1024xf32, #tpu.memory_space<hbm>> -> memref<1x1024xf32, #tpu.memory_space<hbm>>
      %dma_wait3A_686 = arith.constant 0 : i32
      %dma_wait3A_687 = tpu.memref_slice %arg4[%mul3A_2, %dma_wait3A_686] : memref<32768x1024xf32, #tpu.memory_space<hbm>> -> memref<1x1024xf32, #tpu.memory_space<hbm>>
      %dma_wait3A_688 = arith.constant 0 : i32
      %dma_wait3A_689 = arith.constant 0 : i32
      %dma_wait3A_690 = tpu.memref_slice %arg6[%dma_wait3A_688, %dma_wait3A_689] : memref<2x1024xf32, #tpu.memory_space<vmem>> -> memref<1x1024xf32, #tpu.memory_space<vmem>>
      tpu.wait_dma2 semaphore(%arg20 : memref<!tpu.dma_semaphore, #tpu.memory_space<semaphore_mem>>) src(%dma_wait3A_690 : memref<1x1024xf32, #tpu.memory_space<vmem>>) dst(%dma_wait3A_687 : memref<1x1024xf32, #tpu.memory_space<hbm>>)
      %slice3A_691 = vector.extract_strided_slice %get3A_381 {offsets = [13], sizes = [1], strides = [1]} : vector<16xi32> to vector<1xi32>
      %squeeze3A_692 = vector.extract %slice3A_691[0] : i32 from vector<1xi32>
      %add3A_693 = arith.addi %mul3A_2, %multiple_of3A_378 : i32
      %add3A_694 = arith.constant 13 : i32
      %add3A_695 = arith.addi %add3A_693, %add3A_694 : i32
      %dma_start3A_696 = arith.constant 0 : i32
      %dma_start3A_697 = tpu.memref_slice %arg6[%squeeze3A_692, %dma_start3A_696] : memref<2x1024xf32, #tpu.memory_space<vmem>> -> memref<1x1024xf32, #tpu.memory_space<vmem>>
      %dma_start3A_698 = arith.constant 0 : i32
      %dma_start3A_699 = tpu.memref_slice %arg4[%add3A_695, %dma_start3A_698] : memref<32768x1024xf32, #tpu.memory_space<hbm>> -> memref<1x1024xf32, #tpu.memory_space<hbm>>
      %dma_start3A_700 = arith.constant 0 : i32
      %dma_start3A_701 = tpu.memref_slice %arg4[%add3A_695, %dma_start3A_700] : memref<32768x1024xf32, #tpu.memory_space<hbm>> -> memref<1x1024xf32, #tpu.memory_space<hbm>>
      %dma_start3A_702 = arith.constant 0 : i32
      %dma_start3A_703 = tpu.memref_slice %arg6[%squeeze3A_692, %dma_start3A_702] : memref<2x1024xf32, #tpu.memory_space<vmem>> -> memref<1x1024xf32, #tpu.memory_space<vmem>>
      tpu.enqueue_dma source(%dma_start3A_703 : memref<1x1024xf32, #tpu.memory_space<vmem>>) target(%dma_start3A_701 : memref<1x1024xf32, #tpu.memory_space<hbm>>) target_semaphore(%arg20 : memref<!tpu.dma_semaphore, #tpu.memory_space<semaphore_mem>>)
      %dma_wait3A_704 = arith.constant 0 : i32
      %dma_wait3A_705 = arith.constant 0 : i32
      %dma_wait3A_706 = tpu.memref_slice %arg6[%dma_wait3A_704, %dma_wait3A_705] : memref<2x1024xf32, #tpu.memory_space<vmem>> -> memref<1x1024xf32, #tpu.memory_space<vmem>>
      %dma_wait3A_707 = arith.constant 0 : i32
      %dma_wait3A_708 = tpu.memref_slice %arg4[%mul3A_2, %dma_wait3A_707] : memref<32768x1024xf32, #tpu.memory_space<hbm>> -> memref<1x1024xf32, #tpu.memory_space<hbm>>
      %dma_wait3A_709 = arith.constant 0 : i32
      %dma_wait3A_710 = tpu.memref_slice %arg4[%mul3A_2, %dma_wait3A_709] : memref<32768x1024xf32, #tpu.memory_space<hbm>> -> memref<1x1024xf32, #tpu.memory_space<hbm>>
      %dma_wait3A_711 = arith.constant 0 : i32
      %dma_wait3A_712 = arith.constant 0 : i32
      %dma_wait3A_713 = tpu.memref_slice %arg6[%dma_wait3A_711, %dma_wait3A_712] : memref<2x1024xf32, #tpu.memory_space<vmem>> -> memref<1x1024xf32, #tpu.memory_space<vmem>>
      tpu.wait_dma2 semaphore(%arg21 : memref<!tpu.dma_semaphore, #tpu.memory_space<semaphore_mem>>) src(%dma_wait3A_713 : memref<1x1024xf32, #tpu.memory_space<vmem>>) dst(%dma_wait3A_710 : memref<1x1024xf32, #tpu.memory_space<hbm>>)
      %slice3A_714 = vector.extract_strided_slice %get3A_381 {offsets = [14], sizes = [1], strides = [1]} : vector<16xi32> to vector<1xi32>
      %squeeze3A_715 = vector.extract %slice3A_714[0] : i32 from vector<1xi32>
      %add3A_716 = arith.addi %mul3A_2, %multiple_of3A_378 : i32
      %add3A_717 = arith.constant 14 : i32
      %add3A_718 = arith.addi %add3A_716, %add3A_717 : i32
      %dma_start3A_719 = arith.constant 0 : i32
      %dma_start3A_720 = tpu.memref_slice %arg6[%squeeze3A_715, %dma_start3A_719] : memref<2x1024xf32, #tpu.memory_space<vmem>> -> memref<1x1024xf32, #tpu.memory_space<vmem>>
      %dma_start3A_721 = arith.constant 0 : i32
      %dma_start3A_722 = tpu.memref_slice %arg4[%add3A_718, %dma_start3A_721] : memref<32768x1024xf32, #tpu.memory_space<hbm>> -> memref<1x1024xf32, #tpu.memory_space<hbm>>
      %dma_start3A_723 = arith.constant 0 : i32
      %dma_start3A_724 = tpu.memref_slice %arg4[%add3A_718, %dma_start3A_723] : memref<32768x1024xf32, #tpu.memory_space<hbm>> -> memref<1x1024xf32, #tpu.memory_space<hbm>>
      %dma_start3A_725 = arith.constant 0 : i32
      %dma_start3A_726 = tpu.memref_slice %arg6[%squeeze3A_715, %dma_start3A_725] : memref<2x1024xf32, #tpu.memory_space<vmem>> -> memref<1x1024xf32, #tpu.memory_space<vmem>>
      tpu.enqueue_dma source(%dma_start3A_726 : memref<1x1024xf32, #tpu.memory_space<vmem>>) target(%dma_start3A_724 : memref<1x1024xf32, #tpu.memory_space<hbm>>) target_semaphore(%arg21 : memref<!tpu.dma_semaphore, #tpu.memory_space<semaphore_mem>>)
      %dma_wait3A_727 = arith.constant 0 : i32
      %dma_wait3A_728 = arith.constant 0 : i32
      %dma_wait3A_729 = tpu.memref_slice %arg6[%dma_wait3A_727, %dma_wait3A_728] : memref<2x1024xf32, #tpu.memory_space<vmem>> -> memref<1x1024xf32, #tpu.memory_space<vmem>>
      %dma_wait3A_730 = arith.constant 0 : i32
      %dma_wait3A_731 = tpu.memref_slice %arg4[%mul3A_2, %dma_wait3A_730] : memref<32768x1024xf32, #tpu.memory_space<hbm>> -> memref<1x1024xf32, #tpu.memory_space<hbm>>
      %dma_wait3A_732 = arith.constant 0 : i32
      %dma_wait3A_733 = tpu.memref_slice %arg4[%mul3A_2, %dma_wait3A_732] : memref<32768x1024xf32, #tpu.memory_space<hbm>> -> memref<1x1024xf32, #tpu.memory_space<hbm>>
      %dma_wait3A_734 = arith.constant 0 : i32
      %dma_wait3A_735 = arith.constant 0 : i32
      %dma_wait3A_736 = tpu.memref_slice %arg6[%dma_wait3A_734, %dma_wait3A_735] : memref<2x1024xf32, #tpu.memory_space<vmem>> -> memref<1x1024xf32, #tpu.memory_space<vmem>>
      tpu.wait_dma2 semaphore(%arg22 : memref<!tpu.dma_semaphore, #tpu.memory_space<semaphore_mem>>) src(%dma_wait3A_736 : memref<1x1024xf32, #tpu.memory_space<vmem>>) dst(%dma_wait3A_733 : memref<1x1024xf32, #tpu.memory_space<hbm>>)
      %slice3A_737 = vector.extract_strided_slice %get3A_381 {offsets = [15], sizes = [1], strides = [1]} : vector<16xi32> to vector<1xi32>
      %squeeze3A_738 = vector.extract %slice3A_737[0] : i32 from vector<1xi32>
      %add3A_739 = arith.addi %mul3A_2, %multiple_of3A_378 : i32
      %add3A_740 = arith.constant 15 : i32
      %add3A_741 = arith.addi %add3A_739, %add3A_740 : i32
      %dma_start3A_742 = arith.constant 0 : i32
      %dma_start3A_743 = tpu.memref_slice %arg6[%squeeze3A_738, %dma_start3A_742] : memref<2x1024xf32, #tpu.memory_space<vmem>> -> memref<1x1024xf32, #tpu.memory_space<vmem>>
      %dma_start3A_744 = arith.constant 0 : i32
      %dma_start3A_745 = tpu.memref_slice %arg4[%add3A_741, %dma_start3A_744] : memref<32768x1024xf32, #tpu.memory_space<hbm>> -> memref<1x1024xf32, #tpu.memory_space<hbm>>
      %dma_start3A_746 = arith.constant 0 : i32
      %dma_start3A_747 = tpu.memref_slice %arg4[%add3A_741, %dma_start3A_746] : memref<32768x1024xf32, #tpu.memory_space<hbm>> -> memref<1x1024xf32, #tpu.memory_space<hbm>>
      %dma_start3A_748 = arith.constant 0 : i32
      %dma_start3A_749 = tpu.memref_slice %arg6[%squeeze3A_738, %dma_start3A_748] : memref<2x1024xf32, #tpu.memory_space<vmem>> -> memref<1x1024xf32, #tpu.memory_space<vmem>>
      tpu.enqueue_dma source(%dma_start3A_749 : memref<1x1024xf32, #tpu.memory_space<vmem>>) target(%dma_start3A_747 : memref<1x1024xf32, #tpu.memory_space<hbm>>) target_semaphore(%arg22 : memref<!tpu.dma_semaphore, #tpu.memory_space<semaphore_mem>>)
    }
    %scan3A_215 = arith.constant 63 : i32
    %dma_wait3A = arith.constant 0 : i32
    %dma_wait3A_216 = arith.constant 0 : i32
    %dma_wait3A_217 = tpu.memref_slice %arg6[%dma_wait3A, %dma_wait3A_216] : memref<2x1024xf32, #tpu.memory_space<vmem>> -> memref<1x1024xf32, #tpu.memory_space<vmem>>
    %dma_wait3A_218 = arith.constant 0 : i32
    %dma_wait3A_219 = tpu.memref_slice %arg4[%mul3A_2, %dma_wait3A_218] : memref<32768x1024xf32, #tpu.memory_space<hbm>> -> memref<1x1024xf32, #tpu.memory_space<hbm>>
    %dma_wait3A_220 = arith.constant 0 : i32
    %dma_wait3A_221 = tpu.memref_slice %arg4[%mul3A_2, %dma_wait3A_220] : memref<32768x1024xf32, #tpu.memory_space<hbm>> -> memref<1x1024xf32, #tpu.memory_space<hbm>>
    %dma_wait3A_222 = arith.constant 0 : i32
    %dma_wait3A_223 = arith.constant 0 : i32
    %dma_wait3A_224 = tpu.memref_slice %arg6[%dma_wait3A_222, %dma_wait3A_223] : memref<2x1024xf32, #tpu.memory_space<vmem>> -> memref<1x1024xf32, #tpu.memory_space<vmem>>
    tpu.wait_dma2 semaphore(%arg7 : memref<!tpu.dma_semaphore, #tpu.memory_space<semaphore_mem>>) src(%dma_wait3A_224 : memref<1x1024xf32, #tpu.memory_space<vmem>>) dst(%dma_wait3A_221 : memref<1x1024xf32, #tpu.memory_space<hbm>>)
    %dma_wait3A_225 = arith.constant 0 : i32
    %dma_wait3A_226 = arith.constant 0 : i32
    %dma_wait3A_227 = tpu.memref_slice %arg6[%dma_wait3A_225, %dma_wait3A_226] : memref<2x1024xf32, #tpu.memory_space<vmem>> -> memref<1x1024xf32, #tpu.memory_space<vmem>>
    %dma_wait3A_228 = arith.constant 0 : i32
    %dma_wait3A_229 = tpu.memref_slice %arg4[%mul3A_2, %dma_wait3A_228] : memref<32768x1024xf32, #tpu.memory_space<hbm>> -> memref<1x1024xf32, #tpu.memory_space<hbm>>
    %dma_wait3A_230 = arith.constant 0 : i32
    %dma_wait3A_231 = tpu.memref_slice %arg4[%mul3A_2, %dma_wait3A_230] : memref<32768x1024xf32, #tpu.memory_space<hbm>> -> memref<1x1024xf32, #tpu.memory_space<hbm>>
    %dma_wait3A_232 = arith.constant 0 : i32
    %dma_wait3A_233 = arith.constant 0 : i32
    %dma_wait3A_234 = tpu.memref_slice %arg6[%dma_wait3A_232, %dma_wait3A_233] : memref<2x1024xf32, #tpu.memory_space<vmem>> -> memref<1x1024xf32, #tpu.memory_space<vmem>>
    tpu.wait_dma2 semaphore(%arg8 : memref<!tpu.dma_semaphore, #tpu.memory_space<semaphore_mem>>) src(%dma_wait3A_234 : memref<1x1024xf32, #tpu.memory_space<vmem>>) dst(%dma_wait3A_231 : memref<1x1024xf32, #tpu.memory_space<hbm>>)
    %dma_wait3A_235 = arith.constant 0 : i32
    %dma_wait3A_236 = arith.constant 0 : i32
    %dma_wait3A_237 = tpu.memref_slice %arg6[%dma_wait3A_235, %dma_wait3A_236] : memref<2x1024xf32, #tpu.memory_space<vmem>> -> memref<1x1024xf32, #tpu.memory_space<vmem>>
    %dma_wait3A_238 = arith.constant 0 : i32
    %dma_wait3A_239 = tpu.memref_slice %arg4[%mul3A_2, %dma_wait3A_238] : memref<32768x1024xf32, #tpu.memory_space<hbm>> -> memref<1x1024xf32, #tpu.memory_space<hbm>>
    %dma_wait3A_240 = arith.constant 0 : i32
    %dma_wait3A_241 = tpu.memref_slice %arg4[%mul3A_2, %dma_wait3A_240] : memref<32768x1024xf32, #tpu.memory_space<hbm>> -> memref<1x1024xf32, #tpu.memory_space<hbm>>
    %dma_wait3A_242 = arith.constant 0 : i32
    %dma_wait3A_243 = arith.constant 0 : i32
    %dma_wait3A_244 = tpu.memref_slice %arg6[%dma_wait3A_242, %dma_wait3A_243] : memref<2x1024xf32, #tpu.memory_space<vmem>> -> memref<1x1024xf32, #tpu.memory_space<vmem>>
    tpu.wait_dma2 semaphore(%arg9 : memref<!tpu.dma_semaphore, #tpu.memory_space<semaphore_mem>>) src(%dma_wait3A_244 : memref<1x1024xf32, #tpu.memory_space<vmem>>) dst(%dma_wait3A_241 : memref<1x1024xf32, #tpu.memory_space<hbm>>)
    %dma_wait3A_245 = arith.constant 0 : i32
    %dma_wait3A_246 = arith.constant 0 : i32
    %dma_wait3A_247 = tpu.memref_slice %arg6[%dma_wait3A_245, %dma_wait3A_246] : memref<2x1024xf32, #tpu.memory_space<vmem>> -> memref<1x1024xf32, #tpu.memory_space<vmem>>
    %dma_wait3A_248 = arith.constant 0 : i32
    %dma_wait3A_249 = tpu.memref_slice %arg4[%mul3A_2, %dma_wait3A_248] : memref<32768x1024xf32, #tpu.memory_space<hbm>> -> memref<1x1024xf32, #tpu.memory_space<hbm>>
    %dma_wait3A_250 = arith.constant 0 : i32
    %dma_wait3A_251 = tpu.memref_slice %arg4[%mul3A_2, %dma_wait3A_250] : memref<32768x1024xf32, #tpu.memory_space<hbm>> -> memref<1x1024xf32, #tpu.memory_space<hbm>>
    %dma_wait3A_252 = arith.constant 0 : i32
    %dma_wait3A_253 = arith.constant 0 : i32
    %dma_wait3A_254 = tpu.memref_slice %arg6[%dma_wait3A_252, %dma_wait3A_253] : memref<2x1024xf32, #tpu.memory_space<vmem>> -> memref<1x1024xf32, #tpu.memory_space<vmem>>
    tpu.wait_dma2 semaphore(%arg10 : memref<!tpu.dma_semaphore, #tpu.memory_space<semaphore_mem>>) src(%dma_wait3A_254 : memref<1x1024xf32, #tpu.memory_space<vmem>>) dst(%dma_wait3A_251 : memref<1x1024xf32, #tpu.memory_space<hbm>>)
    %dma_wait3A_255 = arith.constant 0 : i32
    %dma_wait3A_256 = arith.constant 0 : i32
    %dma_wait3A_257 = tpu.memref_slice %arg6[%dma_wait3A_255, %dma_wait3A_256] : memref<2x1024xf32, #tpu.memory_space<vmem>> -> memref<1x1024xf32, #tpu.memory_space<vmem>>
    %dma_wait3A_258 = arith.constant 0 : i32
    %dma_wait3A_259 = tpu.memref_slice %arg4[%mul3A_2, %dma_wait3A_258] : memref<32768x1024xf32, #tpu.memory_space<hbm>> -> memref<1x1024xf32, #tpu.memory_space<hbm>>
    %dma_wait3A_260 = arith.constant 0 : i32
    %dma_wait3A_261 = tpu.memref_slice %arg4[%mul3A_2, %dma_wait3A_260] : memref<32768x1024xf32, #tpu.memory_space<hbm>> -> memref<1x1024xf32, #tpu.memory_space<hbm>>
    %dma_wait3A_262 = arith.constant 0 : i32
    %dma_wait3A_263 = arith.constant 0 : i32
    %dma_wait3A_264 = tpu.memref_slice %arg6[%dma_wait3A_262, %dma_wait3A_263] : memref<2x1024xf32, #tpu.memory_space<vmem>> -> memref<1x1024xf32, #tpu.memory_space<vmem>>
    tpu.wait_dma2 semaphore(%arg11 : memref<!tpu.dma_semaphore, #tpu.memory_space<semaphore_mem>>) src(%dma_wait3A_264 : memref<1x1024xf32, #tpu.memory_space<vmem>>) dst(%dma_wait3A_261 : memref<1x1024xf32, #tpu.memory_space<hbm>>)
    %dma_wait3A_265 = arith.constant 0 : i32
    %dma_wait3A_266 = arith.constant 0 : i32
    %dma_wait3A_267 = tpu.memref_slice %arg6[%dma_wait3A_265, %dma_wait3A_266] : memref<2x1024xf32, #tpu.memory_space<vmem>> -> memref<1x1024xf32, #tpu.memory_space<vmem>>
    %dma_wait3A_268 = arith.constant 0 : i32
    %dma_wait3A_269 = tpu.memref_slice %arg4[%mul3A_2, %dma_wait3A_268] : memref<32768x1024xf32, #tpu.memory_space<hbm>> -> memref<1x1024xf32, #tpu.memory_space<hbm>>
    %dma_wait3A_270 = arith.constant 0 : i32
    %dma_wait3A_271 = tpu.memref_slice %arg4[%mul3A_2, %dma_wait3A_270] : memref<32768x1024xf32, #tpu.memory_space<hbm>> -> memref<1x1024xf32, #tpu.memory_space<hbm>>
    %dma_wait3A_272 = arith.constant 0 : i32
    %dma_wait3A_273 = arith.constant 0 : i32
    %dma_wait3A_274 = tpu.memref_slice %arg6[%dma_wait3A_272, %dma_wait3A_273] : memref<2x1024xf32, #tpu.memory_space<vmem>> -> memref<1x1024xf32, #tpu.memory_space<vmem>>
    tpu.wait_dma2 semaphore(%arg12 : memref<!tpu.dma_semaphore, #tpu.memory_space<semaphore_mem>>) src(%dma_wait3A_274 : memref<1x1024xf32, #tpu.memory_space<vmem>>) dst(%dma_wait3A_271 : memref<1x1024xf32, #tpu.memory_space<hbm>>)
    %dma_wait3A_275 = arith.constant 0 : i32
    %dma_wait3A_276 = arith.constant 0 : i32
    %dma_wait3A_277 = tpu.memref_slice %arg6[%dma_wait3A_275, %dma_wait3A_276] : memref<2x1024xf32, #tpu.memory_space<vmem>> -> memref<1x1024xf32, #tpu.memory_space<vmem>>
    %dma_wait3A_278 = arith.constant 0 : i32
    %dma_wait3A_279 = tpu.memref_slice %arg4[%mul3A_2, %dma_wait3A_278] : memref<32768x1024xf32, #tpu.memory_space<hbm>> -> memref<1x1024xf32, #tpu.memory_space<hbm>>
    %dma_wait3A_280 = arith.constant 0 : i32
    %dma_wait3A_281 = tpu.memref_slice %arg4[%mul3A_2, %dma_wait3A_280] : memref<32768x1024xf32, #tpu.memory_space<hbm>> -> memref<1x1024xf32, #tpu.memory_space<hbm>>
    %dma_wait3A_282 = arith.constant 0 : i32
    %dma_wait3A_283 = arith.constant 0 : i32
    %dma_wait3A_284 = tpu.memref_slice %arg6[%dma_wait3A_282, %dma_wait3A_283] : memref<2x1024xf32, #tpu.memory_space<vmem>> -> memref<1x1024xf32, #tpu.memory_space<vmem>>
    tpu.wait_dma2 semaphore(%arg13 : memref<!tpu.dma_semaphore, #tpu.memory_space<semaphore_mem>>) src(%dma_wait3A_284 : memref<1x1024xf32, #tpu.memory_space<vmem>>) dst(%dma_wait3A_281 : memref<1x1024xf32, #tpu.memory_space<hbm>>)
    %dma_wait3A_285 = arith.constant 0 : i32
    %dma_wait3A_286 = arith.constant 0 : i32
    %dma_wait3A_287 = tpu.memref_slice %arg6[%dma_wait3A_285, %dma_wait3A_286] : memref<2x1024xf32, #tpu.memory_space<vmem>> -> memref<1x1024xf32, #tpu.memory_space<vmem>>
    %dma_wait3A_288 = arith.constant 0 : i32
    %dma_wait3A_289 = tpu.memref_slice %arg4[%mul3A_2, %dma_wait3A_288] : memref<32768x1024xf32, #tpu.memory_space<hbm>> -> memref<1x1024xf32, #tpu.memory_space<hbm>>
    %dma_wait3A_290 = arith.constant 0 : i32
    %dma_wait3A_291 = tpu.memref_slice %arg4[%mul3A_2, %dma_wait3A_290] : memref<32768x1024xf32, #tpu.memory_space<hbm>> -> memref<1x1024xf32, #tpu.memory_space<hbm>>
    %dma_wait3A_292 = arith.constant 0 : i32
    %dma_wait3A_293 = arith.constant 0 : i32
    %dma_wait3A_294 = tpu.memref_slice %arg6[%dma_wait3A_292, %dma_wait3A_293] : memref<2x1024xf32, #tpu.memory_space<vmem>> -> memref<1x1024xf32, #tpu.memory_space<vmem>>
    tpu.wait_dma2 semaphore(%arg14 : memref<!tpu.dma_semaphore, #tpu.memory_space<semaphore_mem>>) src(%dma_wait3A_294 : memref<1x1024xf32, #tpu.memory_space<vmem>>) dst(%dma_wait3A_291 : memref<1x1024xf32, #tpu.memory_space<hbm>>)
    %dma_wait3A_295 = arith.constant 0 : i32
    %dma_wait3A_296 = arith.constant 0 : i32
    %dma_wait3A_297 = tpu.memref_slice %arg6[%dma_wait3A_295, %dma_wait3A_296] : memref<2x1024xf32, #tpu.memory_space<vmem>> -> memref<1x1024xf32, #tpu.memory_space<vmem>>
    %dma_wait3A_298 = arith.constant 0 : i32
    %dma_wait3A_299 = tpu.memref_slice %arg4[%mul3A_2, %dma_wait3A_298] : memref<32768x1024xf32, #tpu.memory_space<hbm>> -> memref<1x1024xf32, #tpu.memory_space<hbm>>
    %dma_wait3A_300 = arith.constant 0 : i32
    %dma_wait3A_301 = tpu.memref_slice %arg4[%mul3A_2, %dma_wait3A_300] : memref<32768x1024xf32, #tpu.memory_space<hbm>> -> memref<1x1024xf32, #tpu.memory_space<hbm>>
    %dma_wait3A_302 = arith.constant 0 : i32
    %dma_wait3A_303 = arith.constant 0 : i32
    %dma_wait3A_304 = tpu.memref_slice %arg6[%dma_wait3A_302, %dma_wait3A_303] : memref<2x1024xf32, #tpu.memory_space<vmem>> -> memref<1x1024xf32, #tpu.memory_space<vmem>>
    tpu.wait_dma2 semaphore(%arg15 : memref<!tpu.dma_semaphore, #tpu.memory_space<semaphore_mem>>) src(%dma_wait3A_304 : memref<1x1024xf32, #tpu.memory_space<vmem>>) dst(%dma_wait3A_301 : memref<1x1024xf32, #tpu.memory_space<hbm>>)
    %dma_wait3A_305 = arith.constant 0 : i32
    %dma_wait3A_306 = arith.constant 0 : i32
    %dma_wait3A_307 = tpu.memref_slice %arg6[%dma_wait3A_305, %dma_wait3A_306] : memref<2x1024xf32, #tpu.memory_space<vmem>> -> memref<1x1024xf32, #tpu.memory_space<vmem>>
    %dma_wait3A_308 = arith.constant 0 : i32
    %dma_wait3A_309 = tpu.memref_slice %arg4[%mul3A_2, %dma_wait3A_308] : memref<32768x1024xf32, #tpu.memory_space<hbm>> -> memref<1x1024xf32, #tpu.memory_space<hbm>>
    %dma_wait3A_310 = arith.constant 0 : i32
    %dma_wait3A_311 = tpu.memref_slice %arg4[%mul3A_2, %dma_wait3A_310] : memref<32768x1024xf32, #tpu.memory_space<hbm>> -> memref<1x1024xf32, #tpu.memory_space<hbm>>
    %dma_wait3A_312 = arith.constant 0 : i32
    %dma_wait3A_313 = arith.constant 0 : i32
    %dma_wait3A_314 = tpu.memref_slice %arg6[%dma_wait3A_312, %dma_wait3A_313] : memref<2x1024xf32, #tpu.memory_space<vmem>> -> memref<1x1024xf32, #tpu.memory_space<vmem>>
    tpu.wait_dma2 semaphore(%arg16 : memref<!tpu.dma_semaphore, #tpu.memory_space<semaphore_mem>>) src(%dma_wait3A_314 : memref<1x1024xf32, #tpu.memory_space<vmem>>) dst(%dma_wait3A_311 : memref<1x1024xf32, #tpu.memory_space<hbm>>)
    %dma_wait3A_315 = arith.constant 0 : i32
    %dma_wait3A_316 = arith.constant 0 : i32
    %dma_wait3A_317 = tpu.memref_slice %arg6[%dma_wait3A_315, %dma_wait3A_316] : memref<2x1024xf32, #tpu.memory_space<vmem>> -> memref<1x1024xf32, #tpu.memory_space<vmem>>
    %dma_wait3A_318 = arith.constant 0 : i32
    %dma_wait3A_319 = tpu.memref_slice %arg4[%mul3A_2, %dma_wait3A_318] : memref<32768x1024xf32, #tpu.memory_space<hbm>> -> memref<1x1024xf32, #tpu.memory_space<hbm>>
    %dma_wait3A_320 = arith.constant 0 : i32
    %dma_wait3A_321 = tpu.memref_slice %arg4[%mul3A_2, %dma_wait3A_320] : memref<32768x1024xf32, #tpu.memory_space<hbm>> -> memref<1x1024xf32, #tpu.memory_space<hbm>>
    %dma_wait3A_322 = arith.constant 0 : i32
    %dma_wait3A_323 = arith.constant 0 : i32
    %dma_wait3A_324 = tpu.memref_slice %arg6[%dma_wait3A_322, %dma_wait3A_323] : memref<2x1024xf32, #tpu.memory_space<vmem>> -> memref<1x1024xf32, #tpu.memory_space<vmem>>
    tpu.wait_dma2 semaphore(%arg17 : memref<!tpu.dma_semaphore, #tpu.memory_space<semaphore_mem>>) src(%dma_wait3A_324 : memref<1x1024xf32, #tpu.memory_space<vmem>>) dst(%dma_wait3A_321 : memref<1x1024xf32, #tpu.memory_space<hbm>>)
    %dma_wait3A_325 = arith.constant 0 : i32
    %dma_wait3A_326 = arith.constant 0 : i32
    %dma_wait3A_327 = tpu.memref_slice %arg6[%dma_wait3A_325, %dma_wait3A_326] : memref<2x1024xf32, #tpu.memory_space<vmem>> -> memref<1x1024xf32, #tpu.memory_space<vmem>>
    %dma_wait3A_328 = arith.constant 0 : i32
    %dma_wait3A_329 = tpu.memref_slice %arg4[%mul3A_2, %dma_wait3A_328] : memref<32768x1024xf32, #tpu.memory_space<hbm>> -> memref<1x1024xf32, #tpu.memory_space<hbm>>
    %dma_wait3A_330 = arith.constant 0 : i32
    %dma_wait3A_331 = tpu.memref_slice %arg4[%mul3A_2, %dma_wait3A_330] : memref<32768x1024xf32, #tpu.memory_space<hbm>> -> memref<1x1024xf32, #tpu.memory_space<hbm>>
    %dma_wait3A_332 = arith.constant 0 : i32
    %dma_wait3A_333 = arith.constant 0 : i32
    %dma_wait3A_334 = tpu.memref_slice %arg6[%dma_wait3A_332, %dma_wait3A_333] : memref<2x1024xf32, #tpu.memory_space<vmem>> -> memref<1x1024xf32, #tpu.memory_space<vmem>>
    tpu.wait_dma2 semaphore(%arg18 : memref<!tpu.dma_semaphore, #tpu.memory_space<semaphore_mem>>) src(%dma_wait3A_334 : memref<1x1024xf32, #tpu.memory_space<vmem>>) dst(%dma_wait3A_331 : memref<1x1024xf32, #tpu.memory_space<hbm>>)
    %dma_wait3A_335 = arith.constant 0 : i32
    %dma_wait3A_336 = arith.constant 0 : i32
    %dma_wait3A_337 = tpu.memref_slice %arg6[%dma_wait3A_335, %dma_wait3A_336] : memref<2x1024xf32, #tpu.memory_space<vmem>> -> memref<1x1024xf32, #tpu.memory_space<vmem>>
    %dma_wait3A_338 = arith.constant 0 : i32
    %dma_wait3A_339 = tpu.memref_slice %arg4[%mul3A_2, %dma_wait3A_338] : memref<32768x1024xf32, #tpu.memory_space<hbm>> -> memref<1x1024xf32, #tpu.memory_space<hbm>>
    %dma_wait3A_340 = arith.constant 0 : i32
    %dma_wait3A_341 = tpu.memref_slice %arg4[%mul3A_2, %dma_wait3A_340] : memref<32768x1024xf32, #tpu.memory_space<hbm>> -> memref<1x1024xf32, #tpu.memory_space<hbm>>
    %dma_wait3A_342 = arith.constant 0 : i32
    %dma_wait3A_343 = arith.constant 0 : i32
    %dma_wait3A_344 = tpu.memref_slice %arg6[%dma_wait3A_342, %dma_wait3A_343] : memref<2x1024xf32, #tpu.memory_space<vmem>> -> memref<1x1024xf32, #tpu.memory_space<vmem>>
    tpu.wait_dma2 semaphore(%arg19 : memref<!tpu.dma_semaphore, #tpu.memory_space<semaphore_mem>>) src(%dma_wait3A_344 : memref<1x1024xf32, #tpu.memory_space<vmem>>) dst(%dma_wait3A_341 : memref<1x1024xf32, #tpu.memory_space<hbm>>)
    %dma_wait3A_345 = arith.constant 0 : i32
    %dma_wait3A_346 = arith.constant 0 : i32
    %dma_wait3A_347 = tpu.memref_slice %arg6[%dma_wait3A_345, %dma_wait3A_346] : memref<2x1024xf32, #tpu.memory_space<vmem>> -> memref<1x1024xf32, #tpu.memory_space<vmem>>
    %dma_wait3A_348 = arith.constant 0 : i32
    %dma_wait3A_349 = tpu.memref_slice %arg4[%mul3A_2, %dma_wait3A_348] : memref<32768x1024xf32, #tpu.memory_space<hbm>> -> memref<1x1024xf32, #tpu.memory_space<hbm>>
    %dma_wait3A_350 = arith.constant 0 : i32
    %dma_wait3A_351 = tpu.memref_slice %arg4[%mul3A_2, %dma_wait3A_350] : memref<32768x1024xf32, #tpu.memory_space<hbm>> -> memref<1x1024xf32, #tpu.memory_space<hbm>>
    %dma_wait3A_352 = arith.constant 0 : i32
    %dma_wait3A_353 = arith.constant 0 : i32
    %dma_wait3A_354 = tpu.memref_slice %arg6[%dma_wait3A_352, %dma_wait3A_353] : memref<2x1024xf32, #tpu.memory_space<vmem>> -> memref<1x1024xf32, #tpu.memory_space<vmem>>
    tpu.wait_dma2 semaphore(%arg20 : memref<!tpu.dma_semaphore, #tpu.memory_space<semaphore_mem>>) src(%dma_wait3A_354 : memref<1x1024xf32, #tpu.memory_space<vmem>>) dst(%dma_wait3A_351 : memref<1x1024xf32, #tpu.memory_space<hbm>>)
    %dma_wait3A_355 = arith.constant 0 : i32
    %dma_wait3A_356 = arith.constant 0 : i32
    %dma_wait3A_357 = tpu.memref_slice %arg6[%dma_wait3A_355, %dma_wait3A_356] : memref<2x1024xf32, #tpu.memory_space<vmem>> -> memref<1x1024xf32, #tpu.memory_space<vmem>>
    %dma_wait3A_358 = arith.constant 0 : i32
    %dma_wait3A_359 = tpu.memref_slice %arg4[%mul3A_2, %dma_wait3A_358] : memref<32768x1024xf32, #tpu.memory_space<hbm>> -> memref<1x1024xf32, #tpu.memory_space<hbm>>
    %dma_wait3A_360 = arith.constant 0 : i32
    %dma_wait3A_361 = tpu.memref_slice %arg4[%mul3A_2, %dma_wait3A_360] : memref<32768x1024xf32, #tpu.memory_space<hbm>> -> memref<1x1024xf32, #tpu.memory_space<hbm>>
    %dma_wait3A_362 = arith.constant 0 : i32
    %dma_wait3A_363 = arith.constant 0 : i32
    %dma_wait3A_364 = tpu.memref_slice %arg6[%dma_wait3A_362, %dma_wait3A_363] : memref<2x1024xf32, #tpu.memory_space<vmem>> -> memref<1x1024xf32, #tpu.memory_space<vmem>>
    tpu.wait_dma2 semaphore(%arg21 : memref<!tpu.dma_semaphore, #tpu.memory_space<semaphore_mem>>) src(%dma_wait3A_364 : memref<1x1024xf32, #tpu.memory_space<vmem>>) dst(%dma_wait3A_361 : memref<1x1024xf32, #tpu.memory_space<hbm>>)
    %dma_wait3A_365 = arith.constant 0 : i32
    %dma_wait3A_366 = arith.constant 0 : i32
    %dma_wait3A_367 = tpu.memref_slice %arg6[%dma_wait3A_365, %dma_wait3A_366] : memref<2x1024xf32, #tpu.memory_space<vmem>> -> memref<1x1024xf32, #tpu.memory_space<vmem>>
    %dma_wait3A_368 = arith.constant 0 : i32
    %dma_wait3A_369 = tpu.memref_slice %arg4[%mul3A_2, %dma_wait3A_368] : memref<32768x1024xf32, #tpu.memory_space<hbm>> -> memref<1x1024xf32, #tpu.memory_space<hbm>>
    %dma_wait3A_370 = arith.constant 0 : i32
    %dma_wait3A_371 = tpu.memref_slice %arg4[%mul3A_2, %dma_wait3A_370] : memref<32768x1024xf32, #tpu.memory_space<hbm>> -> memref<1x1024xf32, #tpu.memory_space<hbm>>
    %dma_wait3A_372 = arith.constant 0 : i32
    %dma_wait3A_373 = arith.constant 0 : i32
    %dma_wait3A_374 = tpu.memref_slice %arg6[%dma_wait3A_372, %dma_wait3A_373] : memref<2x1024xf32, #tpu.memory_space<vmem>> -> memref<1x1024xf32, #tpu.memory_space<vmem>>
    tpu.wait_dma2 semaphore(%arg22 : memref<!tpu.dma_semaphore, #tpu.memory_space<semaphore_mem>>) src(%dma_wait3A_374 : memref<1x1024xf32, #tpu.memory_space<vmem>>) dst(%dma_wait3A_371 : memref<1x1024xf32, #tpu.memory_space<hbm>>)
    return
  }
}

</mosaic_0001>

<sc_bundles>
// kernel: kernel.4.cloned.1.call-start
scs
__scs_entry_jumppad:
0x0: {  	(pc) =	sbr.rel $0x88, $3  }
0x1: {  	(tag) =	ssettag $0x0;
	lr =	simm.s32 $0x1  }
0x2: {  	[smem:$0x3F9F] =	sst lr;
	_ =	strace $0xD0000000  }
0x3: {  	_ = 	snop  }
0x4: {  	_ = 	snop  }
0x5: {  	_ = 	snop  }
0x6: {  	_ = 	snop  }
0x7: {  	_ = 	snop  }
__scs_overlays_trampoline_lowered:
0x8: {  	[smem:$0x3FAE] =	sst s0  }
0x9: {  	[smem:$0x3FAF] =	sst s1  }
0xa: {  	[smem:$0x3FB0] =	sst s2  }
0xb: {  	[smem:$0x3FB1] =	sst s3  }
0xc: {  	[smem:$0x3FB2] =	sst s4  }
0xd: {  	[smem:$0x3FB3] =	sst s5  }
0xe: {  	[smem:$0x3FB4] =	sst s6  }
0xf: {  	[smem:$0x3FB5] =	sst s7  }
0x10: {  	[smem:$0x3FB6] =	sst s8  }
0x11: {  	[smem:$0x3FB7] =	sst s9;
	s0 =	simm.s32 @!p0 $0x0  }
0x12: {  	s1 =	sld [smem:$0x3F9D];
	s0 =	simm.s32 @p0 $0x1  }
0x13: {  	[smem:$0x3FB8] =	sst s0;
	s0 =	simm.s32 @!p1 $0x0  }
0x14: {  	s2 =	sld [smem:$0x3F9C];
	s0 =	simm.s32 @p1 $0x1  }
0x15: {  	[smem:$0x3FB9] =	sst s0;
	s0 =	simm.s32 @!p2 $0x0  }
0x16: {  	s3 =	sld [smem:$0x3FDB];
	s0 =	simm.s32 @p2 $0x1  }
0x17: {  	s4 =	simm.s32 $0x1BF5;
	[smem:$0x3FBB] =	sst s0  }
0x18: {  	s0 =	sld [smem:$0x3F9E];
	_ =	swait.ge [sflag:s4], $0x0  }
0x19: {  	s7 =	sld [smem:$0x3F9F]  }
0x1a: {  	s8 =	sadd.s32 $0xFFFFE003, lr  }
0x1b: {  	s9 =	sadd.s32 $0xFFFFFEF7, lr;
	s5 =	simm.s32 $0xFFFFFFFF;
	p2 =	slt.u32 s8, $0xFFFFF086  }
0x1c: {  	p1 =	slt.u32 s9, $0xF7A;
	s5 =	simm.s32 @!p2 $0x0  }
0x1d: {  	s5 =	simm.s32 @p1 $0x1;
	p0 =	seq.s32 s7, s2  }
0x1e: {  	s7 =	smul.u32 @!p0 $0xF7A, s2;
	p2 =	seq.s32 @!p0 s5, $0x0  }
0x1f: {  	s9 =	smul.u32 $0xF7A, s1;
	s8 =	simm.s32 @!p0 $0x1BF5;
	p2 =	por !p2, p0  }
0x20: {  	[sflag:s8] =	ssyncset.s32 @!p0 $0xFFFFF086;
	s6 =	sadd.s32 @!p0 s3, s7;
	s7 =	simm.s32 @!p0 $0x108  }
0x21: {  	s3 =	sadd.s32 s3, s9;
	s6 =	sadd.s32 @!p0 $0x88, s6;
	s7 =	simm.s32 @p2 $0x1082  }
0x22: {  	[simem:s7], [sflag:s8] =	dma.local @!p0 [hbm:s6], $0xF7A  }
0x23: {  	s9 =	sor.u32 $0xD0000000, s2;
	s6 =	simm.s32 $0x108;
	_ =	swait.ge @!p0 [sflag:s8], $0x0  }
0x24: {  	s3 =	sadd.s32 $0x88, s3;
	s6 =	simm.s32 @!p1 $0x1082;
	[sflag:s4] =	ssyncset.s32 $0xFFFFF086  }
0x25: {  	[simem:s6], [sflag:s4] =	dma.local [hbm:s3], $0xF7A  }
0x26: {  	[smem:$0x3F9F] =	sst s1;
	(tag) =	ssettag s2;
	_ =	strace s9  }
0x27: {  	s1 =	sld [smem:$0x3FAF]  }
0x28: {  	s2 =	sld [smem:$0x3FB0]  }
0x29: {  	s4 =	sld [smem:$0x3FB2]  }
0x2a: {  	p0 =	seq.s32 s5, $0x0;
	s5 =	sld [smem:$0x3FB3]  }
0x2b: {  	s6 =	sld [smem:$0x3FB4]  }
0x2c: {  	s7 =	sld [smem:$0x3FB5]  }
0x2d: {  	s3 =	simm.s32 $0x108;
	s8 =	sld [smem:$0x3FB6]  }
0x2e: {  	s3 =	simm.s32 @!p0 $0x1082;
	s9 =	sld [smem:$0x3FB7]  }
0x2f: {  	lr =	sadd.s32 s0, s3;
	s0 =	sld [smem:$0x3FAE]  }
0x30: {  	s3 =	sld [smem:$0x3FB1]  }
0x31: {  	[smem:$0x3FBA] =	sst s10  }
0x32: {  	s10 =	sld [smem:$0x3FB8];
	_ =	sdelay $0x3  }
0x33: {  	p0 =	seq.s32 s10, $0x1;
	s10 =	sld [smem:$0x3FBA];
	_ =	sdelay $0x3  }
0x34: {  	[smem:$0x3FBA] =	sst s10  }
0x35: {  	s10 =	sld [smem:$0x3FB9];
	_ =	sdelay $0x3  }
0x36: {  	p1 =	seq.s32 s10, $0x1;
	s10 =	sld [smem:$0x3FBA];
	_ =	sdelay $0x3  }
0x37: {  	[smem:$0x3FBA] =	sst s10  }
0x38: {  	s10 =	sld [smem:$0x3FBB]  }
0x39: {  	_ = 	snop;
	(pc) =	sbr.ind lr, $3  }
0x3a: {  	_ = 	snop  }
0x3b: {  	_ = 	snop  }
0x3c: {  	p2 =	seq.s32 s10, $0x1;
	s10 =	sld [smem:$0x3FBA]  }
0x3d: {  	_ =	shalt  }
0x3e: {  	_ =	shalt  }
0x3f: {  	_ =	shalt  }
0x40: {  	_ =	shalt  }
0x41: {  	_ =	shalt  }
0x42: {  	_ =	shalt  }
0x43: {  	_ =	shalt  }
0x44: {  	_ =	shalt  }
0x45: {  	_ =	shalt  }
0x46: {  	_ =	shalt  }
0x47: {  	_ =	shalt  }
0x48: {  	_ =	shalt  }
0x49: {  	_ =	shalt  }
0x4a: {  	_ =	shalt  }
0x4b: {  	_ =	shalt  }
0x4c: {  	_ =	shalt  }
0x4d: {  	_ =	shalt  }
0x4e: {  	_ =	shalt  }
0x4f: {  	_ =	shalt  }
0x50: {  	_ =	shalt  }
0x51: {  	_ =	shalt  }
0x52: {  	_ =	shalt  }
0x53: {  	_ =	shalt  }
0x54: {  	_ =	shalt  }
0x55: {  	_ =	shalt  }
0x56: {  	_ =	shalt  }
0x57: {  	_ =	shalt  }
0x58: {  	_ =	shalt  }
0x59: {  	_ =	shalt  }
0x5a: {  	_ =	shalt  }
0x5b: {  	_ =	shalt  }
0x5c: {  	_ =	shalt  }
0x5d: {  	_ =	shalt  }
0x5e: {  	_ =	shalt  }
0x5f: {  	_ =	shalt  }
0x60: {  	_ =	shalt  }
0x61: {  	_ =	shalt  }
0x62: {  	_ =	shalt  }
0x63: {  	_ =	shalt  }
0x64: {  	_ =	shalt  }
0x65: {  	_ =	shalt  }
0x66: {  	_ =	shalt  }
0x67: {  	_ =	shalt  }
0x68: {  	_ =	shalt  }
0x69: {  	_ =	shalt  }
0x6a: {  	_ =	shalt  }
0x6b: {  	_ =	shalt  }
0x6c: {  	_ =	shalt  }
0x6d: {  	_ =	shalt  }
0x6e: {  	_ =	shalt  }
0x6f: {  	_ =	shalt  }
0x70: {  	_ =	shalt  }
0x71: {  	_ =	shalt  }
0x72: {  	_ =	shalt  }
0x73: {  	_ =	shalt  }
0x74: {  	_ =	shalt  }
0x75: {  	_ =	shalt  }
0x76: {  	_ =	shalt  }
0x77: {  	_ =	shalt  }
0x78: {  	_ =	shalt  }
0x79: {  	_ =	shalt  }
0x7a: {  	_ =	shalt  }
0x7b: {  	_ =	shalt  }
0x7c: {  	_ =	shalt  }
0x7d: {  	_ =	shalt  }
0x7e: {  	_ =	shalt  }
0x7f: {  	_ =	shalt  }
0x80: {  	_ =	shalt  }
0x81: {  	_ =	shalt  }
0x82: {  	_ =	shalt  }
0x83: {  	_ =	shalt  }
0x84: {  	_ =	shalt  }
0x85: {  	_ =	shalt  }
0x86: {  	_ =	shalt  }
0x87: {  	_ =	shalt  }
.Lfunc_end0:
.L_simem_size_0:
called_computation_lowered:
.L_overlay_start_0:
0x88: {  	s2 =	sld [smem:$0x3FD9]  }
0x89: {  	s3 =	sld [smem:$0x3FFE];
	_ =	sdelay $0x1  }
0x8a: {  	s1 =	srdreg.scid  }
0x8b: {  	s0 =	sand.u32 $0x1, s1  }
0x8c: {  	s17 =	sshll.u32 s0, $0xA;
	s2 =	sadd.s32 s3, s2  }
0x8d: {  	s2 =	sadd.s32 s2, s17  }
0x8e: {  	[smem:$0x3FC6] =	sst s2  }
0x8f: {  	_ = 	snop  }
0x90: {  	s2 =	sld [smem:$0x3FC8]  }
0x91: {  	s18 =	sld [smem:$0x3FD0];
	(tm) =	ssettm $0x1  }
0x92: {  	s4 =	sld [smem:$0x3FFB];
	_ =	sdelay $0x3  }
0x93: {  	_ =	strace s4  }
0x94: {  	s4 =	sld [smem:$0x3FFC];
	_ =	sdelay $0x3  }
0x95: {  	_ =	strace s4  }
0x96: {  	s4 =	sld [smem:$0x3FFD];
	_ =	sdelay $0x3  }
0x97: {  	_ =	strace s4  }
0x98: {  	_ =	strace $0x8FFFFFFF  }
0x99: {  	s19 =	sld [smem:$0x3FDB];
	_ =	sdelay $0x1  }
0x9a: {  	s5 =	simm.s32 $_scs_section_size  }
0x9b: {  	s6 =	simm.s32 $_size__tile_overlayer_lowered;
	s7 =	simm.s32 $_tile_overlayer_lowered  }
0x9c: {  	s22 =	simm.s32 $0x1BFF;
	s21 =	sshll.u32 s7, $0x1;
	s4 =	sadd.s32 s5, s19  }
0x9d: {  	s8 =	simm.s32 $0x0;
	s20 =	sshll.u32 s6, $0x1;
	s6 =	sadd.s32 s21, s4  }
0x9e: {  	[timem:s8], [sflag:s22] =	dma.local [hbm:s6], s20  }
0x9f: {  	_ =	swait.ge [sflag:s22], s20  }
0xa0: {  	s5 =	ssub.s32 $0x0, s20;
	[sflag:s22] =	ssyncset.done $0x0  }
0xa1: {  	[sflag:s22] =	ssyncadd.s32 s5;
	_ =	sdelay $0x1  }
0xa2: {  	s23 =	simm.s32 $0x1B8B  }
0xa3: {  	_ =	swait.ge [sflag:s23], $0x1  }
0xa4: {  	[sflag:s23] =	ssyncset.done $0x0  }
0xa5: {  	s25 =	simm.s32 $0x1B8E;
	s24 =	sld [smem:$0x3FFE];
	[sflag:s23] =	ssyncadd.s32 $0xFFFFFFFF  }
0xa6: {  	s26 =	simm.s32 $execute0_lowered;
	[smem:$0x3FD2] =	sst s25  }
0xa7: {  	s6 =	sshll.u32 s26, $0x1;
	_ =	strace $0x80000046;
	[dreg:$0x1] =	wrdreg $0xFFFFFFFF  }
0xa8: {  	s28 =	simm.s32 $_size_execute0_lowered;
	s4 =	sadd.s32 s4, s6;
	[dreg:$0x0] =	wrdreg $0x0  }
0xa9: {  	s6 =	sshll.u32 s28, $0x1;
	[dreg:$0x2] =	wrdreg s4  }
0xaa: {  	[dreg:$0x3] =	wrdreg s6  }
0xab: {  	[dreg:$0x4] =	wrdreg $0xC0  }
0xac: {  	_ =	task [dreg:s8], $0x5FFFF  }
0xad: {  	[dreg:$0x1] =	wrdreg $0xFFFFFFFF  }
0xae: {  	[dreg:$0x0] =	wrdreg $0x60  }
0xaf: {  	[dreg:$0x2] =	wrdreg s24  }
0xb0: {  	[dreg:$0x3] =	wrdreg s2  }
0xb1: {  	[dreg:$0x4] =	wrdreg s18  }
0xb2: {  	[dreg:$0x5] =	wrdreg $0x9  }
0xb3: {  	_ =	task.clear_ibuf [dreg:s8], $0x6FFFF;
	_ =	strace $0x90000046  }
0xb4: {  	s29 =	simm.s32 $0x9;
	_ =	strace $0x80000048  }
0xb5: {  	_ =	swait.ge [sflag:s29], $0x1  }
0xb6: {  	[sflag:s29] =	ssyncadd.s32 $0xFFFFFFFF  }
0xb7: {  	_ =	strace $0x90000048  }
0xb8: {  	_ =	sfence  }
0xb9: {  	s30 =	sld [smem:$0x0];
	_ =	sdelay $0x2  }
0xba: {  	s31 =	sshll.u32 s1, $0xD;
	s1 =	sshrl.u32 s1, $0x2  }
0xbb: {  	s3 =	sand.u32 $0x4000, s31;
	s1 =	sadd.s32 s1, s30  }
0xbc: {  	s0 =	sor.u32 s3, s0;
	s1 =	sshll.u32 s1, $0x11  }
0xbd: {  	s0 =	sor.u32 s1, s0  }
0xbe: {  	s0 =	sadd.s32 $0x8F2B, s0  }
0xbf: {  	[sflag:s0] =	ssyncadd.remote.s32 $0x1  }
0xc0: {  	_ =	sfence.sel $0xFFFF  }
0xc1: {  	[dreg:$0x0] =	wrdreg $0xFFFFFFFF;
	(pc) =	sbr.abs _section_cstart, $3  }
0xc2: {  	[dreg:$0x1] =	wrdreg $0xFFFFFFFF  }
0xc3: {  	_ =	task.clear_ibuf [dreg:s8], $0x2FFFF;
	_ =	strace $0x9FFFFFFF  }
0xc4: {  	(tm) =	ssettm $0x7FFFFFFF  }
0xc5: {  	_ =	shalt  }
tec
execute0_lowered:
.L_overlay_start_1:
0x0: {  	(tag) =	ssettag $0x1  }
0x1: {  	s0 =	rddreg [dreg:$0x0]  }
0x2: {  	s1 =	rddreg [dreg:$0x2];
	s2 =	srdreg.scid  }
0x3: {  	s7 =	stileid.u32;
	s3 =	simm.s32 $0x0;
	s28 =	simm.s32 $0x2  }
0x4: {  	s29 =	simm.s32 $0x3;
	s30 =	simm.s32 $0x4;
	s2 =	sand.u32 $0x1, s2  }
0x5: {  	s31 =	simm.s32 $0x5;
	s4 =	sshll.u32 s7, $0xB;
	s5 =	sshll.u32 s2, $0xA  }
0x6: {  	s8 =	simm.s32 $0x0;
	[smem:$0x7FF] =	sst s3;
	s4 =	sor.u32 s5, s4  }
0x7: {  	s22 =	sshll.u32 s7, $0x12;
	s5 =	sshrl.u32 s4, $0x3;
	s4 =	sshll.u32 s4, $0x7  }
0x8: {  	_ =	strace $0x80000047;
	s0 =	sadd.s32 s5, s0;
	s4 =	sadd.s32 s1, s4  }
0x9: {  	s6 =	ssub.s32 $0x2, s2;
	s0 =	sadd.s32 $0x400, s0;
	[dreg:$0x6] =	wrdreg s4  }
0xa: {  	s23 =	sshll.u32 s2, $0x11;
	s14 =	sadd.s32 $0x10, s4;
	[dreg:$0x5] =	wrdreg s0  }
0xb: {  	s2 =	simm.s32 $0x8;
	s15 =	sadd.s32 $0x20, s4;
	[dreg:$0x7] =	wrdreg s14  }
0xc: {  	s13 =	sshrl.u32 s6, $0x1;
	s16 =	sadd.s32 $0x30, s4;
	[dreg:$0x8] =	wrdreg s15  }
0xd: {  	s5 =	ssub.s32 s6, s13;
	s17 =	sadd.s32 $0x40, s4;
	[dreg:$0x9] =	wrdreg s16  }
0xe: {  	s6 =	simm.s32 $0x10;
	s18 =	sadd.s32 $0x50, s4;
	[dreg:$0xa] =	wrdreg s17  }
0xf: {  	s19 =	sadd.s32 $0x60, s4;
	s20 =	sadd.s32 $0x70, s4;
	[dreg:$0xb] =	wrdreg s18  }
0x10: {  	s21 =	sadd.s32 $0x400, s4;
	s24 =	smax.u32 s5, $0x1;
	[dreg:$0xc] =	wrdreg s19  }
0x11: {  	s25 =	sadd.s32 $0x80, s4;
	s26 =	sadd.s32 $0x100, s4;
	[dreg:$0xd] =	wrdreg s20  }
0x12: {  	s5 =	simm.s32 $0xF;
	[dreg:$0xe] =	wrdreg s21;
	s14 =	sadd.s32 $0x410, s4  }
0x13: {  	s15 =	sadd.s32 $0x420, s4;
	s16 =	sadd.s32 $0x430, s4;
	s17 =	sadd.s32 $0x440, s4  }
0x14: {  	s0 =	sadd.s32 s22, s1;
	s18 =	sadd.s32 $0x450, s4;
	[dreg:$0xf] =	wrdreg s24  }
0x15: {  	s19 =	sadd.s32 $0x460, s4;
	s20 =	sadd.s32 $0x470, s4;
	[dreg:$0x10] =	wrdreg s25  }
0x16: {  	[dreg:$0x11] =	wrdreg s26;
	s26 =	simm.s32 $0x1;
	s1 =	simm.s32 $0x7  }
0x17: {  	s4 =	simm.s32 $0xA;
	s21 =	simm.s32 $0xB;
	s24 =	simm.s32 $0xC  }
0x18: {  	s25 =	simm.s32 $0xD;
	s22 =	simm.s32 $0xE;
	s0 =	sadd.s32 s23, s0  }
0x19: {  	s23 =	simm.s32 $0x9;
	[dreg:$0x4] =	wrdreg s0;
	s0 =	simm.s32 $0x6  }
.LBB2_1:
0x1a: {  	[dreg:$0x12] =	wrdreg s8  }
0x1b: {  	s7 =	rddreg [dreg:$0x5];
	s13 =	simm.s32 $0x11  }
0x1c: {  	[tilespmem:s3], [sflag:$0x11] =	stream.linear.gather [hbm4b:s7+s3], $0x400, $0x38;
	[tilespmem:$0xC00] =	vst v63  }
0x1d: {  	_ =	swait.ge [sflag:s13], $0x400  }
0x1e: {  	[sflag:s13] =	ssyncset.done $0x0  }
0x1f: {  	[sflag:s13] =	ssyncadd.s32 $0xFFFFFC00  }
0x20: {  	s9 =	simm.s32 $0x400;
	s10 =	rddreg [dreg:$0x1]  }
0x21: {  	[tilespmem:s9], [sflag:$0x11] =	stream.linear.gather [hbm4b:s10+s3], $0x800, $0x38;
	[tilespmem:$0xC00] =	vst v63  }
0x22: {  	_ =	swait.ge [sflag:s13], $0x800  }
0x23: {  	[sflag:s13] =	ssyncset.done $0x0  }
0x24: {  	[sflag:s13] =	ssyncadd.s32 $0xFFFFF800  }
0x25: {  	v0 =	vld [tilespmem:$0x0];
	_ =	sdelay $0x4  }
0x26: {  	(v2sf) =	vpush v0, $0x0;
	_ =	sdelay $0xe  }
0x27: {  	s11 =	spop (v2sf)  }
0x28: {  	(v2sf) =	vpush v0, $0x1;
	s12 =	sshll.u32 s11, $0x7  }
0x29: {  	s7 =	sshll.u32 s11, $0xA;
	s8 =	sand.u32 $0x80, s12  }
0x2a: {  	s7 =	sor.u32 s8, s7  }
0x2b: {  	s10 =	rddreg [dreg:$0x6];
	s8 =	sor.u32 $0x400, s7  }
0x2c: {  	[hbm4b:s10+s3] =	stream.linear.scatter [tilespmem:s8], [sflag:$0x1], $0x80, $0x38;
	[tilespmem:$0xC00] =	vst v63  }
0x2d: {  	s11 =	rddreg [dreg:$0x10];
	s13 =	sor.u32 $0x500, s7  }
0x2e: {  	[hbm4b:s11+s3] =	stream.linear.scatter [tilespmem:s13], [sflag:$0x1], $0x80, $0x38;
	[tilespmem:$0xC00] =	vst v63  }
0x2f: {  	s12 =	sor.u32 $0x600, s7;
	s13 =	rddreg [dreg:$0x11]  }
0x30: {  	[hbm4b:s13+s3] =	stream.linear.scatter [tilespmem:s12], [sflag:$0x1], $0x80, $0x38;
	[tilespmem:$0xC00] =	vst v63  }
0x31: {  	s7 =	sor.u32 $0x700, s7;
	s11 =	sadd.s32 $0x180, s10  }
0x32: {  	[hbm4b:s11+s3] =	stream.linear.scatter [tilespmem:s7], [sflag:$0x1], $0x80, $0x38;
	[tilespmem:$0xC00] =	vst v63  }
0x33: {  	s12 =	sadd.s32 $0x400, s8;
	s13 =	sadd.s32 $0x200, s10  }
0x34: {  	[hbm4b:s13+s3] =	stream.linear.scatter [tilespmem:s12], [sflag:$0x1], $0x80, $0x38;
	[tilespmem:$0xC00] =	vst v63  }
0x35: {  	s9 =	sadd.s32 $0x500, s8;
	s11 =	sadd.s32 $0x280, s10;
	s12 =	sadd.s32 $0x600, s8  }
0x36: {  	[hbm4b:s11+s3] =	stream.linear.scatter [tilespmem:s9], [sflag:$0x1], $0x80, $0x38;
	[tilespmem:$0xC00] =	vst v63  }
0x37: {  	s13 =	sadd.s32 $0x300, s10;
	s9 =	sadd.s32 $0x380, s10;
	s10 =	spop (v2sf)  }
0x38: {  	[hbm4b:s13+s3] =	stream.linear.scatter [tilespmem:s12], [sflag:$0x1], $0x80, $0x38;
	[tilespmem:$0xC00] =	vst v63  }
0x39: {  	s8 =	sadd.s32 $0x700, s8;
	s11 =	sshll.u32 s10, $0x7  }
0x3a: {  	(v2sf) =	vpush v0, $0x2;
	[hbm4b:s9+s3] =	stream.linear.scatter [tilespmem:s8], [sflag:$0x1], $0x80, $0x38;
	[tilespmem:$0xC00] =	vst v63  }
0x3b: {  	s7 =	sshll.u32 s10, $0xA;
	s8 =	sand.u32 $0x80, s11  }
0x3c: {  	s7 =	sor.u32 s8, s7  }
0x3d: {  	s11 =	rddreg [dreg:$0x7];
	s8 =	sor.u32 $0x400, s7  }
0x3e: {  	[hbm4b:s11+s3] =	stream.linear.scatter [tilespmem:s8], [sflag:$0x2], $0x80, $0x38;
	[tilespmem:$0xC00] =	vst v63  }
0x3f: {  	s13 =	sadd.s32 $0x80, s11;
	s12 =	sor.u32 $0x500, s7  }
0x40: {  	[hbm4b:s13+s3] =	stream.linear.scatter [tilespmem:s12], [sflag:$0x2], $0x80, $0x38;
	[tilespmem:$0xC00] =	vst v63  }
0x41: {  	s12 =	sor.u32 $0x600, s7;
	s13 =	sadd.s32 $0x100, s11  }
0x42: {  	[hbm4b:s13+s3] =	stream.linear.scatter [tilespmem:s12], [sflag:$0x2], $0x80, $0x38;
	[tilespmem:$0xC00] =	vst v63  }
0x43: {  	s10 =	sadd.s32 $0x180, s11;
	s7 =	sor.u32 $0x700, s7  }
0x44: {  	[hbm4b:s10+s3] =	stream.linear.scatter [tilespmem:s7], [sflag:$0x2], $0x80, $0x38;
	[tilespmem:$0xC00] =	vst v63  }
0x45: {  	s12 =	sadd.s32 $0x400, s8;
	s13 =	sadd.s32 $0x200, s11  }
0x46: {  	[hbm4b:s13+s3] =	stream.linear.scatter [tilespmem:s12], [sflag:$0x2], $0x80, $0x38;
	[tilespmem:$0xC00] =	vst v63  }
0x47: {  	s9 =	sadd.s32 $0x500, s8;
	s10 =	sadd.s32 $0x280, s11  }
0x48: {  	[hbm4b:s10+s3] =	stream.linear.scatter [tilespmem:s9], [sflag:$0x2], $0x80, $0x38;
	[tilespmem:$0xC00] =	vst v63  }
0x49: {  	s12 =	sadd.s32 $0x600, s8;
	s13 =	sadd.s32 $0x300, s11;
	s10 =	spop (v2sf)  }
0x4a: {  	[hbm4b:s13+s3] =	stream.linear.scatter [tilespmem:s12], [sflag:$0x2], $0x80, $0x38;
	[tilespmem:$0xC00] =	vst v63  }
0x4b: {  	s8 =	sadd.s32 $0x700, s8;
	s9 =	sadd.s32 $0x380, s11;
	s11 =	sshll.u32 s10, $0x7  }
0x4c: {  	(v2sf) =	vpush v0, $0x3;
	[hbm4b:s9+s3] =	stream.linear.scatter [tilespmem:s8], [sflag:$0x2], $0x80, $0x38;
	[tilespmem:$0xC00] =	vst v63  }
0x4d: {  	s7 =	sshll.u32 s10, $0xA;
	s8 =	sand.u32 $0x80, s11  }
0x4e: {  	s7 =	sor.u32 s8, s7  }
0x4f: {  	s11 =	rddreg [dreg:$0x8];
	s8 =	sor.u32 $0x400, s7  }
0x50: {  	[hbm4b:s11+s3] =	stream.linear.scatter [tilespmem:s8], [sflag:$0x3], $0x80, $0x38;
	[tilespmem:$0xC00] =	vst v63  }
0x51: {  	s13 =	sadd.s32 $0x80, s11;
	s12 =	sor.u32 $0x500, s7  }
0x52: {  	[hbm4b:s13+s3] =	stream.linear.scatter [tilespmem:s12], [sflag:$0x3], $0x80, $0x38;
	[tilespmem:$0xC00] =	vst v63  }
0x53: {  	s12 =	sor.u32 $0x600, s7;
	s13 =	sadd.s32 $0x100, s11  }
0x54: {  	[hbm4b:s13+s3] =	stream.linear.scatter [tilespmem:s12], [sflag:$0x3], $0x80, $0x38;
	[tilespmem:$0xC00] =	vst v63  }
0x55: {  	s10 =	sadd.s32 $0x180, s11;
	s7 =	sor.u32 $0x700, s7  }
0x56: {  	[hbm4b:s10+s3] =	stream.linear.scatter [tilespmem:s7], [sflag:$0x3], $0x80, $0x38;
	[tilespmem:$0xC00] =	vst v63  }
0x57: {  	s12 =	sadd.s32 $0x400, s8;
	s13 =	sadd.s32 $0x200, s11  }
0x58: {  	[hbm4b:s13+s3] =	stream.linear.scatter [tilespmem:s12], [sflag:$0x3], $0x80, $0x38;
	[tilespmem:$0xC00] =	vst v63  }
0x59: {  	s9 =	sadd.s32 $0x500, s8;
	s10 =	sadd.s32 $0x280, s11  }
0x5a: {  	[hbm4b:s10+s3] =	stream.linear.scatter [tilespmem:s9], [sflag:$0x3], $0x80, $0x38;
	[tilespmem:$0xC00] =	vst v63  }
0x5b: {  	s12 =	sadd.s32 $0x600, s8;
	s13 =	sadd.s32 $0x300, s11;
	s10 =	spop (v2sf)  }
0x5c: {  	[hbm4b:s13+s3] =	stream.linear.scatter [tilespmem:s12], [sflag:$0x3], $0x80, $0x38;
	[tilespmem:$0xC00] =	vst v63  }
0x5d: {  	s8 =	sadd.s32 $0x700, s8;
	s9 =	sadd.s32 $0x380, s11;
	s11 =	sshll.u32 s10, $0x7  }
0x5e: {  	(v2sf) =	vpush v0, $0x4;
	[hbm4b:s9+s3] =	stream.linear.scatter [tilespmem:s8], [sflag:$0x3], $0x80, $0x38;
	[tilespmem:$0xC00] =	vst v63  }
0x5f: {  	s7 =	sshll.u32 s10, $0xA;
	s8 =	sand.u32 $0x80, s11  }
0x60: {  	s7 =	sor.u32 s8, s7  }
0x61: {  	s11 =	rddreg [dreg:$0x9];
	s8 =	sor.u32 $0x400, s7  }
0x62: {  	[hbm4b:s11+s3] =	stream.linear.scatter [tilespmem:s8], [sflag:$0x4], $0x80, $0x38;
	[tilespmem:$0xC00] =	vst v63  }
0x63: {  	s13 =	sadd.s32 $0x80, s11;
	s12 =	sor.u32 $0x500, s7  }
0x64: {  	[hbm4b:s13+s3] =	stream.linear.scatter [tilespmem:s12], [sflag:$0x4], $0x80, $0x38;
	[tilespmem:$0xC00] =	vst v63  }
0x65: {  	s12 =	sor.u32 $0x600, s7;
	s13 =	sadd.s32 $0x100, s11  }
0x66: {  	[hbm4b:s13+s3] =	stream.linear.scatter [tilespmem:s12], [sflag:$0x4], $0x80, $0x38;
	[tilespmem:$0xC00] =	vst v63  }
0x67: {  	s10 =	sadd.s32 $0x180, s11;
	s7 =	sor.u32 $0x700, s7  }
0x68: {  	[hbm4b:s10+s3] =	stream.linear.scatter [tilespmem:s7], [sflag:$0x4], $0x80, $0x38;
	[tilespmem:$0xC00] =	vst v63  }
0x69: {  	s12 =	sadd.s32 $0x400, s8;
	s13 =	sadd.s32 $0x200, s11  }
0x6a: {  	[hbm4b:s13+s3] =	stream.linear.scatter [tilespmem:s12], [sflag:$0x4], $0x80, $0x38;
	[tilespmem:$0xC00] =	vst v63  }
0x6b: {  	s9 =	sadd.s32 $0x500, s8;
	s10 =	sadd.s32 $0x280, s11  }
0x6c: {  	[hbm4b:s10+s3] =	stream.linear.scatter [tilespmem:s9], [sflag:$0x4], $0x80, $0x38;
	[tilespmem:$0xC00] =	vst v63  }
0x6d: {  	s12 =	sadd.s32 $0x600, s8;
	s13 =	sadd.s32 $0x300, s11;
	s10 =	spop (v2sf)  }
0x6e: {  	[hbm4b:s13+s3] =	stream.linear.scatter [tilespmem:s12], [sflag:$0x4], $0x80, $0x38;
	[tilespmem:$0xC00] =	vst v63  }
0x6f: {  	s8 =	sadd.s32 $0x700, s8;
	s9 =	sadd.s32 $0x380, s11;
	s11 =	sshll.u32 s10, $0x7  }
0x70: {  	(v2sf) =	vpush v0, $0x5;
	[hbm4b:s9+s3] =	stream.linear.scatter [tilespmem:s8], [sflag:$0x4], $0x80, $0x38;
	[tilespmem:$0xC00] =	vst v63  }
0x71: {  	s7 =	sshll.u32 s10, $0xA;
	s8 =	sand.u32 $0x80, s11  }
0x72: {  	s7 =	sor.u32 s8, s7  }
0x73: {  	s11 =	rddreg [dreg:$0xa];
	s8 =	sor.u32 $0x400, s7  }
0x74: {  	[hbm4b:s11+s3] =	stream.linear.scatter [tilespmem:s8], [sflag:$0x5], $0x80, $0x38;
	[tilespmem:$0xC00] =	vst v63  }
0x75: {  	s13 =	sadd.s32 $0x80, s11;
	s12 =	sor.u32 $0x500, s7  }
0x76: {  	[hbm4b:s13+s3] =	stream.linear.scatter [tilespmem:s12], [sflag:$0x5], $0x80, $0x38;
	[tilespmem:$0xC00] =	vst v63  }
0x77: {  	s12 =	sor.u32 $0x600, s7;
	s13 =	sadd.s32 $0x100, s11  }
0x78: {  	[hbm4b:s13+s3] =	stream.linear.scatter [tilespmem:s12], [sflag:$0x5], $0x80, $0x38;
	[tilespmem:$0xC00] =	vst v63  }
0x79: {  	s10 =	sadd.s32 $0x180, s11;
	s7 =	sor.u32 $0x700, s7  }
0x7a: {  	[hbm4b:s10+s3] =	stream.linear.scatter [tilespmem:s7], [sflag:$0x5], $0x80, $0x38;
	[tilespmem:$0xC00] =	vst v63  }
0x7b: {  	s12 =	sadd.s32 $0x400, s8;
	s13 =	sadd.s32 $0x200, s11  }
0x7c: {  	[hbm4b:s13+s3] =	stream.linear.scatter [tilespmem:s12], [sflag:$0x5], $0x80, $0x38;
	[tilespmem:$0xC00] =	vst v63  }
0x7d: {  	s9 =	sadd.s32 $0x500, s8;
	s10 =	sadd.s32 $0x280, s11  }
0x7e: {  	[hbm4b:s10+s3] =	stream.linear.scatter [tilespmem:s9], [sflag:$0x5], $0x80, $0x38;
	[tilespmem:$0xC00] =	vst v63  }
0x7f: {  	s12 =	sadd.s32 $0x600, s8;
	s13 =	sadd.s32 $0x300, s11;
	s10 =	spop (v2sf)  }
0x80: {  	[hbm4b:s13+s3] =	stream.linear.scatter [tilespmem:s12], [sflag:$0x5], $0x80, $0x38;
	[tilespmem:$0xC00] =	vst v63  }
0x81: {  	s8 =	sadd.s32 $0x700, s8;
	s9 =	sadd.s32 $0x380, s11;
	s11 =	sshll.u32 s10, $0x7  }
0x82: {  	(v2sf) =	vpush v0, $0x6;
	[hbm4b:s9+s3] =	stream.linear.scatter [tilespmem:s8], [sflag:$0x5], $0x80, $0x38;
	[tilespmem:$0xC00] =	vst v63  }
0x83: {  	s7 =	sshll.u32 s10, $0xA;
	s8 =	sand.u32 $0x80, s11  }
0x84: {  	s7 =	sor.u32 s8, s7  }
0x85: {  	s11 =	rddreg [dreg:$0xb];
	s8 =	sor.u32 $0x400, s7  }
0x86: {  	[hbm4b:s11+s3] =	stream.linear.scatter [tilespmem:s8], [sflag:$0x6], $0x80, $0x38;
	[tilespmem:$0xC00] =	vst v63  }
0x87: {  	s13 =	sadd.s32 $0x80, s11;
	s12 =	sor.u32 $0x500, s7  }
0x88: {  	[hbm4b:s13+s3] =	stream.linear.scatter [tilespmem:s12], [sflag:$0x6], $0x80, $0x38;
	[tilespmem:$0xC00] =	vst v63  }
0x89: {  	s12 =	sor.u32 $0x600, s7;
	s13 =	sadd.s32 $0x100, s11  }
0x8a: {  	[hbm4b:s13+s3] =	stream.linear.scatter [tilespmem:s12], [sflag:$0x6], $0x80, $0x38;
	[tilespmem:$0xC00] =	vst v63  }
0x8b: {  	s10 =	sadd.s32 $0x180, s11;
	s7 =	sor.u32 $0x700, s7  }
0x8c: {  	[hbm4b:s10+s3] =	stream.linear.scatter [tilespmem:s7], [sflag:$0x6], $0x80, $0x38;
	[tilespmem:$0xC00] =	vst v63  }
0x8d: {  	s12 =	sadd.s32 $0x400, s8;
	s13 =	sadd.s32 $0x200, s11  }
0x8e: {  	[hbm4b:s13+s3] =	stream.linear.scatter [tilespmem:s12], [sflag:$0x6], $0x80, $0x38;
	[tilespmem:$0xC00] =	vst v63  }
0x8f: {  	s9 =	sadd.s32 $0x500, s8;
	s10 =	sadd.s32 $0x280, s11  }
0x90: {  	[hbm4b:s10+s3] =	stream.linear.scatter [tilespmem:s9], [sflag:$0x6], $0x80, $0x38;
	[tilespmem:$0xC00] =	vst v63  }
0x91: {  	s12 =	sadd.s32 $0x600, s8;
	s13 =	sadd.s32 $0x300, s11;
	s10 =	spop (v2sf)  }
0x92: {  	[hbm4b:s13+s3] =	stream.linear.scatter [tilespmem:s12], [sflag:$0x6], $0x80, $0x38;
	[tilespmem:$0xC00] =	vst v63  }
0x93: {  	s8 =	sadd.s32 $0x700, s8;
	s9 =	sadd.s32 $0x380, s11;
	s11 =	sshll.u32 s10, $0x7  }
0x94: {  	(v2sf) =	vpush v0, $0x7;
	[hbm4b:s9+s3] =	stream.linear.scatter [tilespmem:s8], [sflag:$0x6], $0x80, $0x38;
	[tilespmem:$0xC00] =	vst v63  }
0x95: {  	s7 =	sshll.u32 s10, $0xA;
	s8 =	sand.u32 $0x80, s11  }
0x96: {  	s7 =	sor.u32 s8, s7  }
0x97: {  	s11 =	rddreg [dreg:$0xc];
	s8 =	sor.u32 $0x400, s7  }
0x98: {  	[hbm4b:s11+s3] =	stream.linear.scatter [tilespmem:s8], [sflag:$0x7], $0x80, $0x38;
	[tilespmem:$0xC00] =	vst v63  }
0x99: {  	s13 =	sadd.s32 $0x80, s11;
	s12 =	sor.u32 $0x500, s7  }
0x9a: {  	[hbm4b:s13+s3] =	stream.linear.scatter [tilespmem:s12], [sflag:$0x7], $0x80, $0x38;
	[tilespmem:$0xC00] =	vst v63  }
0x9b: {  	s12 =	sor.u32 $0x600, s7;
	s13 =	sadd.s32 $0x100, s11  }
0x9c: {  	[hbm4b:s13+s3] =	stream.linear.scatter [tilespmem:s12], [sflag:$0x7], $0x80, $0x38;
	[tilespmem:$0xC00] =	vst v63  }
0x9d: {  	s10 =	sadd.s32 $0x180, s11;
	s7 =	sor.u32 $0x700, s7  }
0x9e: {  	[hbm4b:s10+s3] =	stream.linear.scatter [tilespmem:s7], [sflag:$0x7], $0x80, $0x38;
	[tilespmem:$0xC00] =	vst v63  }
0x9f: {  	s12 =	sadd.s32 $0x400, s8;
	s13 =	sadd.s32 $0x200, s11  }
0xa0: {  	[hbm4b:s13+s3] =	stream.linear.scatter [tilespmem:s12], [sflag:$0x7], $0x80, $0x38;
	[tilespmem:$0xC00] =	vst v63  }
0xa1: {  	s9 =	sadd.s32 $0x500, s8;
	s10 =	sadd.s32 $0x280, s11  }
0xa2: {  	[hbm4b:s10+s3] =	stream.linear.scatter [tilespmem:s9], [sflag:$0x7], $0x80, $0x38;
	[tilespmem:$0xC00] =	vst v63  }
0xa3: {  	s12 =	sadd.s32 $0x600, s8;
	s13 =	sadd.s32 $0x300, s11;
	s10 =	spop (v2sf)  }
0xa4: {  	[hbm4b:s13+s3] =	stream.linear.scatter [tilespmem:s12], [sflag:$0x7], $0x80, $0x38;
	[tilespmem:$0xC00] =	vst v63  }
0xa5: {  	s8 =	sadd.s32 $0x700, s8;
	s9 =	sadd.s32 $0x380, s11;
	s11 =	sshll.u32 s10, $0x7  }
0xa6: {  	(v2sf) =	vpush v0, $0x8;
	[hbm4b:s9+s3] =	stream.linear.scatter [tilespmem:s8], [sflag:$0x7], $0x80, $0x38;
	[tilespmem:$0xC00] =	vst v63  }
0xa7: {  	s7 =	sshll.u32 s10, $0xA;
	s8 =	sand.u32 $0x80, s11  }
0xa8: {  	s7 =	sor.u32 s8, s7  }
0xa9: {  	s11 =	rddreg [dreg:$0xd];
	s8 =	sor.u32 $0x400, s7  }
0xaa: {  	[hbm4b:s11+s3] =	stream.linear.scatter [tilespmem:s8], [sflag:$0x8], $0x80, $0x38;
	[tilespmem:$0xC00] =	vst v63  }
0xab: {  	s13 =	sadd.s32 $0x80, s11;
	s12 =	sor.u32 $0x500, s7  }
0xac: {  	[hbm4b:s13+s3] =	stream.linear.scatter [tilespmem:s12], [sflag:$0x8], $0x80, $0x38;
	[tilespmem:$0xC00] =	vst v63  }
0xad: {  	s12 =	sor.u32 $0x600, s7;
	s13 =	sadd.s32 $0x100, s11  }
0xae: {  	[hbm4b:s13+s3] =	stream.linear.scatter [tilespmem:s12], [sflag:$0x8], $0x80, $0x38;
	[tilespmem:$0xC00] =	vst v63  }
0xaf: {  	s10 =	sadd.s32 $0x180, s11;
	s7 =	sor.u32 $0x700, s7  }
0xb0: {  	[hbm4b:s10+s3] =	stream.linear.scatter [tilespmem:s7], [sflag:$0x8], $0x80, $0x38;
	[tilespmem:$0xC00] =	vst v63  }
0xb1: {  	s12 =	sadd.s32 $0x400, s8;
	s13 =	sadd.s32 $0x200, s11  }
0xb2: {  	[hbm4b:s13+s3] =	stream.linear.scatter [tilespmem:s12], [sflag:$0x8], $0x80, $0x38;
	[tilespmem:$0xC00] =	vst v63  }
0xb3: {  	s9 =	sadd.s32 $0x500, s8;
	s10 =	sadd.s32 $0x280, s11  }
0xb4: {  	[hbm4b:s10+s3] =	stream.linear.scatter [tilespmem:s9], [sflag:$0x8], $0x80, $0x38;
	[tilespmem:$0xC00] =	vst v63  }
0xb5: {  	s12 =	sadd.s32 $0x600, s8;
	s13 =	sadd.s32 $0x300, s11;
	s10 =	spop (v2sf)  }
0xb6: {  	[hbm4b:s13+s3] =	stream.linear.scatter [tilespmem:s12], [sflag:$0x8], $0x80, $0x38;
	[tilespmem:$0xC00] =	vst v63  }
0xb7: {  	s8 =	sadd.s32 $0x700, s8;
	s9 =	sadd.s32 $0x380, s11;
	s11 =	sshll.u32 s10, $0x7  }
0xb8: {  	(v2sf) =	vpush v0, $0x9;
	[hbm4b:s9+s3] =	stream.linear.scatter [tilespmem:s8], [sflag:$0x8], $0x80, $0x38;
	[tilespmem:$0xC00] =	vst v63  }
0xb9: {  	s7 =	sshll.u32 s10, $0xA;
	s8 =	sand.u32 $0x80, s11  }
0xba: {  	s7 =	sor.u32 s8, s7  }
0xbb: {  	s11 =	rddreg [dreg:$0xe];
	s8 =	sor.u32 $0x400, s7  }
0xbc: {  	[hbm4b:s11+s3] =	stream.linear.scatter [tilespmem:s8], [sflag:$0x9], $0x80, $0x38;
	[tilespmem:$0xC00] =	vst v63  }
0xbd: {  	s13 =	sadd.s32 $0x80, s11;
	s12 =	sor.u32 $0x500, s7  }
0xbe: {  	[hbm4b:s13+s3] =	stream.linear.scatter [tilespmem:s12], [sflag:$0x9], $0x80, $0x38;
	[tilespmem:$0xC00] =	vst v63  }
0xbf: {  	s12 =	sor.u32 $0x600, s7;
	s13 =	sadd.s32 $0x100, s11  }
0xc0: {  	[hbm4b:s13+s3] =	stream.linear.scatter [tilespmem:s12], [sflag:$0x9], $0x80, $0x38;
	[tilespmem:$0xC00] =	vst v63  }
0xc1: {  	s10 =	sadd.s32 $0x180, s11;
	s7 =	sor.u32 $0x700, s7  }
0xc2: {  	[hbm4b:s10+s3] =	stream.linear.scatter [tilespmem:s7], [sflag:$0x9], $0x80, $0x38;
	[tilespmem:$0xC00] =	vst v63  }
0xc3: {  	s12 =	sadd.s32 $0x400, s8;
	s13 =	sadd.s32 $0x200, s11  }
0xc4: {  	[hbm4b:s13+s3] =	stream.linear.scatter [tilespmem:s12], [sflag:$0x9], $0x80, $0x38;
	[tilespmem:$0xC00] =	vst v63  }
0xc5: {  	s9 =	sadd.s32 $0x500, s8;
	s10 =	sadd.s32 $0x280, s11  }
0xc6: {  	[hbm4b:s10+s3] =	stream.linear.scatter [tilespmem:s9], [sflag:$0x9], $0x80, $0x38;
	[tilespmem:$0xC00] =	vst v63  }
0xc7: {  	s12 =	sadd.s32 $0x600, s8;
	s13 =	sadd.s32 $0x300, s11;
	s10 =	spop (v2sf)  }
0xc8: {  	[hbm4b:s13+s3] =	stream.linear.scatter [tilespmem:s12], [sflag:$0x9], $0x80, $0x38;
	[tilespmem:$0xC00] =	vst v63  }
0xc9: {  	s8 =	sadd.s32 $0x700, s8;
	s9 =	sadd.s32 $0x380, s11;
	s11 =	sshll.u32 s10, $0x7  }
0xca: {  	(v2sf) =	vpush v0, $0xA;
	[hbm4b:s9+s3] =	stream.linear.scatter [tilespmem:s8], [sflag:$0x9], $0x80, $0x38;
	[tilespmem:$0xC00] =	vst v63  }
0xcb: {  	s7 =	sshll.u32 s10, $0xA;
	s8 =	sand.u32 $0x80, s11  }
0xcc: {  	s7 =	sor.u32 s8, s7  }
0xcd: {  	s8 =	sor.u32 $0x400, s7  }
0xce: {  	[hbm4b:s14+s3] =	stream.linear.scatter [tilespmem:s8], [sflag:$0xA], $0x80, $0x38;
	[tilespmem:$0xC00] =	vst v63  }
0xcf: {  	s13 =	sadd.s32 $0x80, s14;
	s12 =	sor.u32 $0x500, s7  }
0xd0: {  	[hbm4b:s13+s3] =	stream.linear.scatter [tilespmem:s12], [sflag:$0xA], $0x80, $0x38;
	[tilespmem:$0xC00] =	vst v63  }
0xd1: {  	s11 =	sor.u32 $0x600, s7;
	s12 =	sadd.s32 $0x100, s14  }
0xd2: {  	[hbm4b:s12+s3] =	stream.linear.scatter [tilespmem:s11], [sflag:$0xA], $0x80, $0x38;
	[tilespmem:$0xC00] =	vst v63  }
0xd3: {  	s7 =	sor.u32 $0x700, s7;
	s13 =	sadd.s32 $0x180, s14  }
0xd4: {  	[hbm4b:s13+s3] =	stream.linear.scatter [tilespmem:s7], [sflag:$0xA], $0x80, $0x38;
	[tilespmem:$0xC00] =	vst v63  }
0xd5: {  	s10 =	sadd.s32 $0x400, s8;
	s11 =	sadd.s32 $0x200, s14  }
0xd6: {  	[hbm4b:s11+s3] =	stream.linear.scatter [tilespmem:s10], [sflag:$0xA], $0x80, $0x38;
	[tilespmem:$0xC00] =	vst v63  }
0xd7: {  	s12 =	sadd.s32 $0x500, s8;
	s13 =	sadd.s32 $0x280, s14  }
0xd8: {  	[hbm4b:s13+s3] =	stream.linear.scatter [tilespmem:s12], [sflag:$0xA], $0x80, $0x38;
	[tilespmem:$0xC00] =	vst v63  }
0xd9: {  	s10 =	sadd.s32 $0x600, s8;
	s12 =	sadd.s32 $0x700, s8;
	s8 =	spop (v2sf)  }
0xda: {  	s11 =	sadd.s32 $0x300, s14;
	s9 =	sshll.u32 s8, $0x7  }
0xdb: {  	[hbm4b:s11+s3] =	stream.linear.scatter [tilespmem:s10], [sflag:$0xA], $0x80, $0x38;
	[tilespmem:$0xC00] =	vst v63  }
0xdc: {  	(v2sf) =	vpush v0, $0xB;
	s7 =	sshll.u32 s8, $0xA;
	s8 =	sand.u32 $0x80, s9  }
0xdd: {  	s13 =	sadd.s32 $0x380, s14;
	s7 =	sor.u32 s8, s7  }
0xde: {  	[hbm4b:s13+s3] =	stream.linear.scatter [tilespmem:s12], [sflag:$0xA], $0x80, $0x38;
	[tilespmem:$0xC00] =	vst v63  }
0xdf: {  	s8 =	sor.u32 $0x400, s7  }
0xe0: {  	[hbm4b:s15+s3] =	stream.linear.scatter [tilespmem:s8], [sflag:$0xB], $0x80, $0x38;
	[tilespmem:$0xC00] =	vst v63  }
0xe1: {  	s11 =	sadd.s32 $0x80, s15;
	s10 =	sor.u32 $0x500, s7  }
0xe2: {  	[hbm4b:s11+s3] =	stream.linear.scatter [tilespmem:s10], [sflag:$0xB], $0x80, $0x38;
	[tilespmem:$0xC00] =	vst v63  }
0xe3: {  	s12 =	sor.u32 $0x600, s7;
	s13 =	sadd.s32 $0x100, s15  }
0xe4: {  	[hbm4b:s13+s3] =	stream.linear.scatter [tilespmem:s12], [sflag:$0xB], $0x80, $0x38;
	[tilespmem:$0xC00] =	vst v63  }
0xe5: {  	s7 =	sor.u32 $0x700, s7;
	s11 =	sadd.s32 $0x180, s15  }
0xe6: {  	[hbm4b:s11+s3] =	stream.linear.scatter [tilespmem:s7], [sflag:$0xB], $0x80, $0x38;
	[tilespmem:$0xC00] =	vst v63  }
0xe7: {  	s12 =	sadd.s32 $0x400, s8;
	s13 =	sadd.s32 $0x200, s15  }
0xe8: {  	[hbm4b:s13+s3] =	stream.linear.scatter [tilespmem:s12], [sflag:$0xB], $0x80, $0x38;
	[tilespmem:$0xC00] =	vst v63  }
0xe9: {  	s10 =	sadd.s32 $0x500, s8;
	s11 =	sadd.s32 $0x280, s15  }
0xea: {  	[hbm4b:s11+s3] =	stream.linear.scatter [tilespmem:s10], [sflag:$0xB], $0x80, $0x38;
	[tilespmem:$0xC00] =	vst v63  }
0xeb: {  	s12 =	sadd.s32 $0x600, s8;
	s13 =	sadd.s32 $0x300, s15;
	s10 =	spop (v2sf)  }
0xec: {  	[hbm4b:s13+s3] =	stream.linear.scatter [tilespmem:s12], [sflag:$0xB], $0x80, $0x38;
	[tilespmem:$0xC00] =	vst v63  }
0xed: {  	s9 =	sadd.s32 $0x380, s15;
	s8 =	sadd.s32 $0x700, s8;
	s11 =	sshll.u32 s10, $0x7  }
0xee: {  	(v2sf) =	vpush v0, $0xC;
	[hbm4b:s9+s3] =	stream.linear.scatter [tilespmem:s8], [sflag:$0xB], $0x80, $0x38;
	[tilespmem:$0xC00] =	vst v63  }
0xef: {  	s7 =	sshll.u32 s10, $0xA;
	s8 =	sand.u32 $0x80, s11  }
0xf0: {  	s7 =	sor.u32 s8, s7  }
0xf1: {  	s8 =	sor.u32 $0x400, s7  }
0xf2: {  	[hbm4b:s16+s3] =	stream.linear.scatter [tilespmem:s8], [sflag:$0xC], $0x80, $0x38;
	[tilespmem:$0xC00] =	vst v63  }
0xf3: {  	s13 =	sadd.s32 $0x80, s16;
	s12 =	sor.u32 $0x500, s7  }
0xf4: {  	[hbm4b:s13+s3] =	stream.linear.scatter [tilespmem:s12], [sflag:$0xC], $0x80, $0x38;
	[tilespmem:$0xC00] =	vst v63  }
0xf5: {  	s11 =	sor.u32 $0x600, s7;
	s12 =	sadd.s32 $0x100, s16  }
0xf6: {  	[hbm4b:s12+s3] =	stream.linear.scatter [tilespmem:s11], [sflag:$0xC], $0x80, $0x38;
	[tilespmem:$0xC00] =	vst v63  }
0xf7: {  	s7 =	sor.u32 $0x700, s7;
	s13 =	sadd.s32 $0x180, s16  }
0xf8: {  	[hbm4b:s13+s3] =	stream.linear.scatter [tilespmem:s7], [sflag:$0xC], $0x80, $0x38;
	[tilespmem:$0xC00] =	vst v63  }
0xf9: {  	s10 =	sadd.s32 $0x400, s8;
	s11 =	sadd.s32 $0x200, s16  }
0xfa: {  	[hbm4b:s11+s3] =	stream.linear.scatter [tilespmem:s10], [sflag:$0xC], $0x80, $0x38;
	[tilespmem:$0xC00] =	vst v63  }
0xfb: {  	s12 =	sadd.s32 $0x500, s8;
	s13 =	sadd.s32 $0x280, s16  }
0xfc: {  	[hbm4b:s13+s3] =	stream.linear.scatter [tilespmem:s12], [sflag:$0xC], $0x80, $0x38;
	[tilespmem:$0xC00] =	vst v63  }
0xfd: {  	s10 =	sadd.s32 $0x600, s8;
	s12 =	sadd.s32 $0x700, s8;
	s8 =	spop (v2sf)  }
0xfe: {  	s11 =	sadd.s32 $0x300, s16;
	s9 =	sshll.u32 s8, $0x7  }
0xff: {  	[hbm4b:s11+s3] =	stream.linear.scatter [tilespmem:s10], [sflag:$0xC], $0x80, $0x38;
	[tilespmem:$0xC00] =	vst v63  }
0x100: {  	(v2sf) =	vpush v0, $0xD;
	s7 =	sshll.u32 s8, $0xA;
	s8 =	sand.u32 $0x80, s9  }
0x101: {  	s13 =	sadd.s32 $0x380, s16;
	s7 =	sor.u32 s8, s7  }
0x102: {  	[hbm4b:s13+s3] =	stream.linear.scatter [tilespmem:s12], [sflag:$0xC], $0x80, $0x38;
	[tilespmem:$0xC00] =	vst v63  }
0x103: {  	s8 =	sor.u32 $0x400, s7  }
0x104: {  	[hbm4b:s17+s3] =	stream.linear.scatter [tilespmem:s8], [sflag:$0xD], $0x80, $0x38;
	[tilespmem:$0xC00] =	vst v63  }
0x105: {  	s11 =	sadd.s32 $0x80, s17;
	s10 =	sor.u32 $0x500, s7  }
0x106: {  	[hbm4b:s11+s3] =	stream.linear.scatter [tilespmem:s10], [sflag:$0xD], $0x80, $0x38;
	[tilespmem:$0xC00] =	vst v63  }
0x107: {  	s12 =	sor.u32 $0x600, s7;
	s13 =	sadd.s32 $0x100, s17  }
0x108: {  	[hbm4b:s13+s3] =	stream.linear.scatter [tilespmem:s12], [sflag:$0xD], $0x80, $0x38;
	[tilespmem:$0xC00] =	vst v63  }
0x109: {  	s7 =	sor.u32 $0x700, s7;
	s11 =	sadd.s32 $0x180, s17  }
0x10a: {  	[hbm4b:s11+s3] =	stream.linear.scatter [tilespmem:s7], [sflag:$0xD], $0x80, $0x38;
	[tilespmem:$0xC00] =	vst v63  }
0x10b: {  	s12 =	sadd.s32 $0x400, s8;
	s13 =	sadd.s32 $0x200, s17  }
0x10c: {  	[hbm4b:s13+s3] =	stream.linear.scatter [tilespmem:s12], [sflag:$0xD], $0x80, $0x38;
	[tilespmem:$0xC00] =	vst v63  }
0x10d: {  	s10 =	sadd.s32 $0x500, s8;
	s11 =	sadd.s32 $0x280, s17  }
0x10e: {  	[hbm4b:s11+s3] =	stream.linear.scatter [tilespmem:s10], [sflag:$0xD], $0x80, $0x38;
	[tilespmem:$0xC00] =	vst v63  }
0x10f: {  	s12 =	sadd.s32 $0x600, s8;
	s13 =	sadd.s32 $0x300, s17;
	s10 =	spop (v2sf)  }
0x110: {  	[hbm4b:s13+s3] =	stream.linear.scatter [tilespmem:s12], [sflag:$0xD], $0x80, $0x38;
	[tilespmem:$0xC00] =	vst v63  }
0x111: {  	s9 =	sadd.s32 $0x380, s17;
	s8 =	sadd.s32 $0x700, s8;
	s11 =	sshll.u32 s10, $0x7  }
0x112: {  	(v2sf) =	vpush v0, $0xE;
	[hbm4b:s9+s3] =	stream.linear.scatter [tilespmem:s8], [sflag:$0xD], $0x80, $0x38;
	[tilespmem:$0xC00] =	vst v63  }
0x113: {  	s7 =	sshll.u32 s10, $0xA;
	s8 =	sand.u32 $0x80, s11  }
0x114: {  	s7 =	sor.u32 s8, s7  }
0x115: {  	s8 =	sor.u32 $0x400, s7  }
0x116: {  	[hbm4b:s18+s3] =	stream.linear.scatter [tilespmem:s8], [sflag:$0xE], $0x80, $0x38;
	[tilespmem:$0xC00] =	vst v63  }
0x117: {  	s13 =	sadd.s32 $0x80, s18;
	s12 =	sor.u32 $0x500, s7  }
0x118: {  	[hbm4b:s13+s3] =	stream.linear.scatter [tilespmem:s12], [sflag:$0xE], $0x80, $0x38;
	[tilespmem:$0xC00] =	vst v63  }
0x119: {  	s11 =	sor.u32 $0x600, s7;
	s12 =	sadd.s32 $0x100, s18  }
0x11a: {  	[hbm4b:s12+s3] =	stream.linear.scatter [tilespmem:s11], [sflag:$0xE], $0x80, $0x38;
	[tilespmem:$0xC00] =	vst v63  }
0x11b: {  	s7 =	sor.u32 $0x700, s7;
	s13 =	sadd.s32 $0x180, s18  }
0x11c: {  	[hbm4b:s13+s3] =	stream.linear.scatter [tilespmem:s7], [sflag:$0xE], $0x80, $0x38;
	[tilespmem:$0xC00] =	vst v63  }
0x11d: {  	s10 =	sadd.s32 $0x400, s8;
	s11 =	sadd.s32 $0x200, s18  }
0x11e: {  	[hbm4b:s11+s3] =	stream.linear.scatter [tilespmem:s10], [sflag:$0xE], $0x80, $0x38;
	[tilespmem:$0xC00] =	vst v63  }
0x11f: {  	s12 =	sadd.s32 $0x500, s8;
	s13 =	sadd.s32 $0x280, s18  }
0x120: {  	[hbm4b:s13+s3] =	stream.linear.scatter [tilespmem:s12], [sflag:$0xE], $0x80, $0x38;
	[tilespmem:$0xC00] =	vst v63  }
0x121: {  	s10 =	sadd.s32 $0x600, s8;
	s12 =	sadd.s32 $0x700, s8;
	s8 =	spop (v2sf)  }
0x122: {  	s11 =	sadd.s32 $0x300, s18;
	s9 =	sshll.u32 s8, $0x7  }
0x123: {  	[hbm4b:s11+s3] =	stream.linear.scatter [tilespmem:s10], [sflag:$0xE], $0x80, $0x38;
	[tilespmem:$0xC00] =	vst v63  }
0x124: {  	(v2sf) =	vpush v0, $0xF;
	s7 =	sshll.u32 s8, $0xA;
	s8 =	sand.u32 $0x80, s9  }
0x125: {  	s13 =	sadd.s32 $0x380, s18;
	s7 =	sor.u32 s8, s7  }
0x126: {  	[hbm4b:s13+s3] =	stream.linear.scatter [tilespmem:s12], [sflag:$0xE], $0x80, $0x38;
	[tilespmem:$0xC00] =	vst v63  }
0x127: {  	s8 =	sor.u32 $0x400, s7  }
0x128: {  	[hbm4b:s19+s3] =	stream.linear.scatter [tilespmem:s8], [sflag:$0xF], $0x80, $0x38;
	[tilespmem:$0xC00] =	vst v63  }
0x129: {  	s11 =	sadd.s32 $0x80, s19;
	s10 =	sor.u32 $0x500, s7  }
0x12a: {  	[hbm4b:s11+s3] =	stream.linear.scatter [tilespmem:s10], [sflag:$0xF], $0x80, $0x38;
	[tilespmem:$0xC00] =	vst v63  }
0x12b: {  	s12 =	sor.u32 $0x600, s7;
	s13 =	sadd.s32 $0x100, s19  }
0x12c: {  	[hbm4b:s13+s3] =	stream.linear.scatter [tilespmem:s12], [sflag:$0xF], $0x80, $0x38;
	[tilespmem:$0xC00] =	vst v63  }
0x12d: {  	s7 =	sor.u32 $0x700, s7;
	s11 =	sadd.s32 $0x180, s19  }
0x12e: {  	[hbm4b:s11+s3] =	stream.linear.scatter [tilespmem:s7], [sflag:$0xF], $0x80, $0x38;
	[tilespmem:$0xC00] =	vst v63  }
0x12f: {  	s12 =	sadd.s32 $0x400, s8;
	s13 =	sadd.s32 $0x200, s19  }
0x130: {  	[hbm4b:s13+s3] =	stream.linear.scatter [tilespmem:s12], [sflag:$0xF], $0x80, $0x38;
	[tilespmem:$0xC00] =	vst v63  }
0x131: {  	s10 =	sadd.s32 $0x500, s8;
	s11 =	sadd.s32 $0x280, s19  }
0x132: {  	[hbm4b:s11+s3] =	stream.linear.scatter [tilespmem:s10], [sflag:$0xF], $0x80, $0x38;
	[tilespmem:$0xC00] =	vst v63  }
0x133: {  	s12 =	sadd.s32 $0x600, s8;
	s13 =	sadd.s32 $0x300, s19;
	s10 =	spop (v2sf)  }
0x134: {  	[hbm4b:s13+s3] =	stream.linear.scatter [tilespmem:s12], [sflag:$0xF], $0x80, $0x38;
	[tilespmem:$0xC00] =	vst v63  }
0x135: {  	s9 =	sadd.s32 $0x380, s19;
	s8 =	sadd.s32 $0x700, s8;
	s11 =	sshll.u32 s10, $0x7  }
0x136: {  	[hbm4b:s9+s3] =	stream.linear.scatter [tilespmem:s8], [sflag:$0xF], $0x80, $0x38;
	[tilespmem:$0xC00] =	vst v63  }
0x137: {  	s7 =	sshll.u32 s10, $0xA;
	s8 =	sand.u32 $0x80, s11  }
0x138: {  	s7 =	sor.u32 s8, s7  }
0x139: {  	s8 =	sor.u32 $0x400, s7  }
0x13a: {  	[hbm4b:s20+s3] =	stream.linear.scatter [tilespmem:s8], [sflag:$0x10], $0x80, $0x38;
	[tilespmem:$0xC00] =	vst v63  }
0x13b: {  	s13 =	sadd.s32 $0x80, s20;
	s12 =	sor.u32 $0x500, s7  }
0x13c: {  	[hbm4b:s13+s3] =	stream.linear.scatter [tilespmem:s12], [sflag:$0x10], $0x80, $0x38;
	[tilespmem:$0xC00] =	vst v63  }
0x13d: {  	s11 =	sor.u32 $0x600, s7;
	s12 =	sadd.s32 $0x100, s20  }
0x13e: {  	[hbm4b:s12+s3] =	stream.linear.scatter [tilespmem:s11], [sflag:$0x10], $0x80, $0x38;
	[tilespmem:$0xC00] =	vst v63  }
0x13f: {  	s7 =	sor.u32 $0x700, s7;
	s13 =	sadd.s32 $0x180, s20  }
0x140: {  	[hbm4b:s13+s3] =	stream.linear.scatter [tilespmem:s7], [sflag:$0x10], $0x80, $0x38;
	[tilespmem:$0xC00] =	vst v63  }
0x141: {  	s10 =	sadd.s32 $0x400, s8;
	s11 =	sadd.s32 $0x200, s20  }
0x142: {  	[hbm4b:s11+s3] =	stream.linear.scatter [tilespmem:s10], [sflag:$0x10], $0x80, $0x38;
	[tilespmem:$0xC00] =	vst v63  }
0x143: {  	s12 =	sadd.s32 $0x500, s8;
	s13 =	sadd.s32 $0x280, s20  }
0x144: {  	[hbm4b:s13+s3] =	stream.linear.scatter [tilespmem:s12], [sflag:$0x10], $0x80, $0x38;
	[tilespmem:$0xC00] =	vst v63  }
0x145: {  	s7 =	simm.s32 $0x10;
	s10 =	sadd.s32 $0x600, s8;
	s11 =	sadd.s32 $0x300, s20  }
0x146: {  	[hbm4b:s11+s3] =	stream.linear.scatter [tilespmem:s10], [sflag:$0x10], $0x80, $0x38;
	[tilespmem:$0xC00] =	vst v63  }
0x147: {  	s12 =	sadd.s32 $0x700, s8;
	s13 =	sadd.s32 $0x380, s20;
	s8 =	simm.s32 $0x0  }
0x148: {  	[hbm4b:s13+s3] =	stream.linear.scatter [tilespmem:s12], [sflag:$0x10], $0x80, $0x38;
	[tilespmem:$0xC00] =	vst v63  }
.LBB2_2:
0x149: {  	v0 =	vld [tilespmem:s7+$0x0];
	_ =	sdelay $0x3  }
0x14a: {  	_ =	swait.ge [sflag:s26], $0x400  }
0x14b: {  	(v2sf) =	vpush v0, $0x0;
	_ =	sdelay $0xe  }
0x14c: {  	s9 =	spop (v2sf)  }
0x14d: {  	s11 =	sshll.u32 s9, $0x7  }
0x14e: {  	s10 =	rddreg [dreg:$0x4];
	s9 =	sshll.u32 s9, $0xA;
	s11 =	sand.u32 $0x80, s11  }
0x14f: {  	[sflag:s26] =	ssyncset.done $0x0;
	s11 =	sor.u32 s11, s9;
	s9 =	sadd.s32 s8, s10  }
0x150: {  	[sflag:s26] =	ssyncadd.s32 $0xFFFFFC00;
	s10 =	sor.u32 $0x400, s11;
	s12 =	sadd.s32 $0x800, s9  }
0x151: {  	[hbm4b:s12+s3] =	stream.linear.scatter [tilespmem:s10], [sflag:$0x1], $0x80, $0x38;
	[tilespmem:$0xC00] =	vst v63  }
0x152: {  	s13 =	sadd.s32 $0x880, s9;
	s12 =	sor.u32 $0x500, s11  }
0x153: {  	[hbm4b:s13+s3] =	stream.linear.scatter [tilespmem:s12], [sflag:$0x1], $0x80, $0x38;
	[tilespmem:$0xC00] =	vst v63  }
0x154: {  	s12 =	sor.u32 $0x600, s11;
	s13 =	sadd.s32 $0x900, s9  }
0x155: {  	[hbm4b:s13+s3] =	stream.linear.scatter [tilespmem:s12], [sflag:$0x1], $0x80, $0x38;
	[tilespmem:$0xC00] =	vst v63  }
0x156: {  	s11 =	sor.u32 $0x700, s11;
	s13 =	sadd.s32 $0x980, s9  }
0x157: {  	[hbm4b:s13+s3] =	stream.linear.scatter [tilespmem:s11], [sflag:$0x1], $0x80, $0x38;
	[tilespmem:$0xC00] =	vst v63  }
0x158: {  	s12 =	sadd.s32 $0x400, s10;
	s13 =	sadd.s32 $0xA00, s9  }
0x159: {  	[hbm4b:s13+s3] =	stream.linear.scatter [tilespmem:s12], [sflag:$0x1], $0x80, $0x38;
	[tilespmem:$0xC00] =	vst v63  }
0x15a: {  	s12 =	sadd.s32 $0x500, s10;
	s13 =	sadd.s32 $0xA80, s9  }
0x15b: {  	[hbm4b:s13+s3] =	stream.linear.scatter [tilespmem:s12], [sflag:$0x1], $0x80, $0x38;
	[tilespmem:$0xC00] =	vst v63  }
0x15c: {  	s12 =	sadd.s32 $0x600, s10;
	s13 =	sadd.s32 $0xB00, s9  }
0x15d: {  	[hbm4b:s13+s3] =	stream.linear.scatter [tilespmem:s12], [sflag:$0x1], $0x80, $0x38;
	[tilespmem:$0xC00] =	vst v63  }
0x15e: {  	s10 =	sadd.s32 $0x700, s10;
	s13 =	sadd.s32 $0xB80, s9  }
0x15f: {  	[hbm4b:s13+s3] =	stream.linear.scatter [tilespmem:s10], [sflag:$0x1], $0x80, $0x38;
	[tilespmem:$0xC00] =	vst v63  }
0x160: {  	_ =	swait.ge [sflag:s28], $0x400  }
0x161: {  	(v2sf) =	vpush v0, $0x1;
	_ =	sdelay $0xe  }
0x162: {  	s11 =	spop (v2sf)  }
0x163: {  	s12 =	sshll.u32 s11, $0x7  }
0x164: {  	s10 =	sshll.u32 s11, $0xA;
	s11 =	sand.u32 $0x80, s12  }
0x165: {  	[sflag:s28] =	ssyncset.done $0x0;
	s10 =	sor.u32 s11, s10  }
0x166: {  	s13 =	sadd.s32 $0x810, s9;
	[sflag:s28] =	ssyncadd.s32 $0xFFFFFC00;
	s11 =	sor.u32 $0x400, s10  }
0x167: {  	[hbm4b:s13+s3] =	stream.linear.scatter [tilespmem:s11], [sflag:$0x2], $0x80, $0x38;
	[tilespmem:$0xC00] =	vst v63  }
0x168: {  	s12 =	sor.u32 $0x500, s10;
	s13 =	sadd.s32 $0x890, s9  }
0x169: {  	[hbm4b:s13+s3] =	stream.linear.scatter [tilespmem:s12], [sflag:$0x2], $0x80, $0x38;
	[tilespmem:$0xC00] =	vst v63  }
0x16a: {  	s12 =	sor.u32 $0x600, s10;
	s13 =	sadd.s32 $0x910, s9  }
0x16b: {  	[hbm4b:s13+s3] =	stream.linear.scatter [tilespmem:s12], [sflag:$0x2], $0x80, $0x38;
	[tilespmem:$0xC00] =	vst v63  }
0x16c: {  	s10 =	sor.u32 $0x700, s10;
	s13 =	sadd.s32 $0x990, s9  }
0x16d: {  	[hbm4b:s13+s3] =	stream.linear.scatter [tilespmem:s10], [sflag:$0x2], $0x80, $0x38;
	[tilespmem:$0xC00] =	vst v63  }
0x16e: {  	s12 =	sadd.s32 $0x400, s11;
	s13 =	sadd.s32 $0xA10, s9  }
0x16f: {  	[hbm4b:s13+s3] =	stream.linear.scatter [tilespmem:s12], [sflag:$0x2], $0x80, $0x38;
	[tilespmem:$0xC00] =	vst v63  }
0x170: {  	s12 =	sadd.s32 $0x500, s11;
	s13 =	sadd.s32 $0xA90, s9  }
0x171: {  	[hbm4b:s13+s3] =	stream.linear.scatter [tilespmem:s12], [sflag:$0x2], $0x80, $0x38;
	[tilespmem:$0xC00] =	vst v63  }
0x172: {  	s12 =	sadd.s32 $0x600, s11;
	s13 =	sadd.s32 $0xB10, s9  }
0x173: {  	[hbm4b:s13+s3] =	stream.linear.scatter [tilespmem:s12], [sflag:$0x2], $0x80, $0x38;
	[tilespmem:$0xC00] =	vst v63  }
0x174: {  	s12 =	sadd.s32 $0x700, s11;
	s13 =	sadd.s32 $0xB90, s9  }
0x175: {  	[hbm4b:s13+s3] =	stream.linear.scatter [tilespmem:s12], [sflag:$0x2], $0x80, $0x38;
	[tilespmem:$0xC00] =	vst v63  }
0x176: {  	_ =	swait.ge [sflag:s29], $0x400  }
0x177: {  	(v2sf) =	vpush v0, $0x2;
	_ =	sdelay $0xe  }
0x178: {  	s11 =	spop (v2sf)  }
0x179: {  	s12 =	sshll.u32 s11, $0x7  }
0x17a: {  	s10 =	sshll.u32 s11, $0xA;
	s11 =	sand.u32 $0x80, s12  }
0x17b: {  	[sflag:s29] =	ssyncset.done $0x0;
	s10 =	sor.u32 s11, s10  }
0x17c: {  	s13 =	sadd.s32 $0x820, s9;
	[sflag:s29] =	ssyncadd.s32 $0xFFFFFC00;
	s11 =	sor.u32 $0x400, s10  }
0x17d: {  	[hbm4b:s13+s3] =	stream.linear.scatter [tilespmem:s11], [sflag:$0x3], $0x80, $0x38;
	[tilespmem:$0xC00] =	vst v63  }
0x17e: {  	s12 =	sor.u32 $0x500, s10;
	s13 =	sadd.s32 $0x8A0, s9  }
0x17f: {  	[hbm4b:s13+s3] =	stream.linear.scatter [tilespmem:s12], [sflag:$0x3], $0x80, $0x38;
	[tilespmem:$0xC00] =	vst v63  }
0x180: {  	s12 =	sor.u32 $0x600, s10;
	s13 =	sadd.s32 $0x920, s9  }
0x181: {  	[hbm4b:s13+s3] =	stream.linear.scatter [tilespmem:s12], [sflag:$0x3], $0x80, $0x38;
	[tilespmem:$0xC00] =	vst v63  }
0x182: {  	s10 =	sor.u32 $0x700, s10;
	s13 =	sadd.s32 $0x9A0, s9  }
0x183: {  	[hbm4b:s13+s3] =	stream.linear.scatter [tilespmem:s10], [sflag:$0x3], $0x80, $0x38;
	[tilespmem:$0xC00] =	vst v63  }
0x184: {  	s12 =	sadd.s32 $0x400, s11;
	s13 =	sadd.s32 $0xA20, s9  }
0x185: {  	[hbm4b:s13+s3] =	stream.linear.scatter [tilespmem:s12], [sflag:$0x3], $0x80, $0x38;
	[tilespmem:$0xC00] =	vst v63  }
0x186: {  	s12 =	sadd.s32 $0x500, s11;
	s13 =	sadd.s32 $0xAA0, s9  }
0x187: {  	[hbm4b:s13+s3] =	stream.linear.scatter [tilespmem:s12], [sflag:$0x3], $0x80, $0x38;
	[tilespmem:$0xC00] =	vst v63  }
0x188: {  	s12 =	sadd.s32 $0x600, s11;
	s13 =	sadd.s32 $0xB20, s9  }
0x189: {  	[hbm4b:s13+s3] =	stream.linear.scatter [tilespmem:s12], [sflag:$0x3], $0x80, $0x38;
	[tilespmem:$0xC00] =	vst v63  }
0x18a: {  	s12 =	sadd.s32 $0x700, s11;
	s13 =	sadd.s32 $0xBA0, s9  }
0x18b: {  	[hbm4b:s13+s3] =	stream.linear.scatter [tilespmem:s12], [sflag:$0x3], $0x80, $0x38;
	[tilespmem:$0xC00] =	vst v63  }
0x18c: {  	_ =	swait.ge [sflag:s30], $0x400  }
0x18d: {  	(v2sf) =	vpush v0, $0x3;
	_ =	sdelay $0xe  }
0x18e: {  	s11 =	spop (v2sf)  }
0x18f: {  	s12 =	sshll.u32 s11, $0x7  }
0x190: {  	s10 =	sshll.u32 s11, $0xA;
	s11 =	sand.u32 $0x80, s12  }
0x191: {  	[sflag:s30] =	ssyncset.done $0x0;
	s10 =	sor.u32 s11, s10  }
0x192: {  	s13 =	sadd.s32 $0x830, s9;
	[sflag:s30] =	ssyncadd.s32 $0xFFFFFC00;
	s11 =	sor.u32 $0x400, s10  }
0x193: {  	[hbm4b:s13+s3] =	stream.linear.scatter [tilespmem:s11], [sflag:$0x4], $0x80, $0x38;
	[tilespmem:$0xC00] =	vst v63  }
0x194: {  	s12 =	sor.u32 $0x500, s10;
	s13 =	sadd.s32 $0x8B0, s9  }
0x195: {  	[hbm4b:s13+s3] =	stream.linear.scatter [tilespmem:s12], [sflag:$0x4], $0x80, $0x38;
	[tilespmem:$0xC00] =	vst v63  }
0x196: {  	s12 =	sor.u32 $0x600, s10;
	s13 =	sadd.s32 $0x930, s9  }
0x197: {  	[hbm4b:s13+s3] =	stream.linear.scatter [tilespmem:s12], [sflag:$0x4], $0x80, $0x38;
	[tilespmem:$0xC00] =	vst v63  }
0x198: {  	s10 =	sor.u32 $0x700, s10;
	s13 =	sadd.s32 $0x9B0, s9  }
0x199: {  	[hbm4b:s13+s3] =	stream.linear.scatter [tilespmem:s10], [sflag:$0x4], $0x80, $0x38;
	[tilespmem:$0xC00] =	vst v63  }
0x19a: {  	s12 =	sadd.s32 $0x400, s11;
	s13 =	sadd.s32 $0xA30, s9  }
0x19b: {  	[hbm4b:s13+s3] =	stream.linear.scatter [tilespmem:s12], [sflag:$0x4], $0x80, $0x38;
	[tilespmem:$0xC00] =	vst v63  }
0x19c: {  	s12 =	sadd.s32 $0x500, s11;
	s13 =	sadd.s32 $0xAB0, s9  }
0x19d: {  	[hbm4b:s13+s3] =	stream.linear.scatter [tilespmem:s12], [sflag:$0x4], $0x80, $0x38;
	[tilespmem:$0xC00] =	vst v63  }
0x19e: {  	s12 =	sadd.s32 $0x600, s11;
	s13 =	sadd.s32 $0xB30, s9  }
0x19f: {  	[hbm4b:s13+s3] =	stream.linear.scatter [tilespmem:s12], [sflag:$0x4], $0x80, $0x38;
	[tilespmem:$0xC00] =	vst v63  }
0x1a0: {  	s12 =	sadd.s32 $0x700, s11;
	s13 =	sadd.s32 $0xBB0, s9  }
0x1a1: {  	[hbm4b:s13+s3] =	stream.linear.scatter [tilespmem:s12], [sflag:$0x4], $0x80, $0x38;
	[tilespmem:$0xC00] =	vst v63  }
0x1a2: {  	_ =	swait.ge [sflag:s31], $0x400  }
0x1a3: {  	(v2sf) =	vpush v0, $0x4;
	_ =	sdelay $0xe  }
0x1a4: {  	s11 =	spop (v2sf)  }
0x1a5: {  	s12 =	sshll.u32 s11, $0x7  }
0x1a6: {  	s10 =	sshll.u32 s11, $0xA;
	s11 =	sand.u32 $0x80, s12  }
0x1a7: {  	[sflag:s31] =	ssyncset.done $0x0;
	s10 =	sor.u32 s11, s10  }
0x1a8: {  	s13 =	sadd.s32 $0x840, s9;
	[sflag:s31] =	ssyncadd.s32 $0xFFFFFC00;
	s11 =	sor.u32 $0x400, s10  }
0x1a9: {  	[hbm4b:s13+s3] =	stream.linear.scatter [tilespmem:s11], [sflag:$0x5], $0x80, $0x38;
	[tilespmem:$0xC00] =	vst v63  }
0x1aa: {  	s12 =	sor.u32 $0x500, s10;
	s13 =	sadd.s32 $0x8C0, s9  }
0x1ab: {  	[hbm4b:s13+s3] =	stream.linear.scatter [tilespmem:s12], [sflag:$0x5], $0x80, $0x38;
	[tilespmem:$0xC00] =	vst v63  }
0x1ac: {  	s12 =	sor.u32 $0x600, s10;
	s13 =	sadd.s32 $0x940, s9  }
0x1ad: {  	[hbm4b:s13+s3] =	stream.linear.scatter [tilespmem:s12], [sflag:$0x5], $0x80, $0x38;
	[tilespmem:$0xC00] =	vst v63  }
0x1ae: {  	s10 =	sor.u32 $0x700, s10;
	s13 =	sadd.s32 $0x9C0, s9  }
0x1af: {  	[hbm4b:s13+s3] =	stream.linear.scatter [tilespmem:s10], [sflag:$0x5], $0x80, $0x38;
	[tilespmem:$0xC00] =	vst v63  }
0x1b0: {  	s12 =	sadd.s32 $0x400, s11;
	s13 =	sadd.s32 $0xA40, s9  }
0x1b1: {  	[hbm4b:s13+s3] =	stream.linear.scatter [tilespmem:s12], [sflag:$0x5], $0x80, $0x38;
	[tilespmem:$0xC00] =	vst v63  }
0x1b2: {  	s12 =	sadd.s32 $0x500, s11;
	s13 =	sadd.s32 $0xAC0, s9  }
0x1b3: {  	[hbm4b:s13+s3] =	stream.linear.scatter [tilespmem:s12], [sflag:$0x5], $0x80, $0x38;
	[tilespmem:$0xC00] =	vst v63  }
0x1b4: {  	s12 =	sadd.s32 $0x600, s11;
	s13 =	sadd.s32 $0xB40, s9  }
0x1b5: {  	[hbm4b:s13+s3] =	stream.linear.scatter [tilespmem:s12], [sflag:$0x5], $0x80, $0x38;
	[tilespmem:$0xC00] =	vst v63  }
0x1b6: {  	s12 =	sadd.s32 $0x700, s11;
	s13 =	sadd.s32 $0xBC0, s9  }
0x1b7: {  	[hbm4b:s13+s3] =	stream.linear.scatter [tilespmem:s12], [sflag:$0x5], $0x80, $0x38;
	[tilespmem:$0xC00] =	vst v63  }
0x1b8: {  	_ =	swait.ge [sflag:s0], $0x400  }
0x1b9: {  	(v2sf) =	vpush v0, $0x5;
	_ =	sdelay $0xe  }
0x1ba: {  	s11 =	spop (v2sf)  }
0x1bb: {  	s12 =	sshll.u32 s11, $0x7  }
0x1bc: {  	s10 =	sshll.u32 s11, $0xA;
	s11 =	sand.u32 $0x80, s12  }
0x1bd: {  	[sflag:s0] =	ssyncset.done $0x0;
	s10 =	sor.u32 s11, s10  }
0x1be: {  	s13 =	sadd.s32 $0x850, s9;
	[sflag:s0] =	ssyncadd.s32 $0xFFFFFC00;
	s11 =	sor.u32 $0x400, s10  }
0x1bf: {  	[hbm4b:s13+s3] =	stream.linear.scatter [tilespmem:s11], [sflag:$0x6], $0x80, $0x38;
	[tilespmem:$0xC00] =	vst v63  }
0x1c0: {  	s12 =	sor.u32 $0x500, s10;
	s13 =	sadd.s32 $0x8D0, s9  }
0x1c1: {  	[hbm4b:s13+s3] =	stream.linear.scatter [tilespmem:s12], [sflag:$0x6], $0x80, $0x38;
	[tilespmem:$0xC00] =	vst v63  }
0x1c2: {  	s12 =	sor.u32 $0x600, s10;
	s13 =	sadd.s32 $0x950, s9  }
0x1c3: {  	[hbm4b:s13+s3] =	stream.linear.scatter [tilespmem:s12], [sflag:$0x6], $0x80, $0x38;
	[tilespmem:$0xC00] =	vst v63  }
0x1c4: {  	s10 =	sor.u32 $0x700, s10;
	s13 =	sadd.s32 $0x9D0, s9  }
0x1c5: {  	[hbm4b:s13+s3] =	stream.linear.scatter [tilespmem:s10], [sflag:$0x6], $0x80, $0x38;
	[tilespmem:$0xC00] =	vst v63  }
0x1c6: {  	s12 =	sadd.s32 $0x400, s11;
	s13 =	sadd.s32 $0xA50, s9  }
0x1c7: {  	[hbm4b:s13+s3] =	stream.linear.scatter [tilespmem:s12], [sflag:$0x6], $0x80, $0x38;
	[tilespmem:$0xC00] =	vst v63  }
0x1c8: {  	s12 =	sadd.s32 $0x500, s11;
	s13 =	sadd.s32 $0xAD0, s9  }
0x1c9: {  	[hbm4b:s13+s3] =	stream.linear.scatter [tilespmem:s12], [sflag:$0x6], $0x80, $0x38;
	[tilespmem:$0xC00] =	vst v63  }
0x1ca: {  	s12 =	sadd.s32 $0x600, s11;
	s13 =	sadd.s32 $0xB50, s9  }
0x1cb: {  	[hbm4b:s13+s3] =	stream.linear.scatter [tilespmem:s12], [sflag:$0x6], $0x80, $0x38;
	[tilespmem:$0xC00] =	vst v63  }
0x1cc: {  	s12 =	sadd.s32 $0x700, s11;
	s13 =	sadd.s32 $0xBD0, s9  }
0x1cd: {  	[hbm4b:s13+s3] =	stream.linear.scatter [tilespmem:s12], [sflag:$0x6], $0x80, $0x38;
	[tilespmem:$0xC00] =	vst v63  }
0x1ce: {  	_ =	swait.ge [sflag:s1], $0x400  }
0x1cf: {  	(v2sf) =	vpush v0, $0x6;
	_ =	sdelay $0xe  }
0x1d0: {  	s11 =	spop (v2sf)  }
0x1d1: {  	s12 =	sshll.u32 s11, $0x7  }
0x1d2: {  	s10 =	sshll.u32 s11, $0xA;
	s11 =	sand.u32 $0x80, s12  }
0x1d3: {  	[sflag:s1] =	ssyncset.done $0x0;
	s10 =	sor.u32 s11, s10  }
0x1d4: {  	s13 =	sadd.s32 $0x860, s9;
	[sflag:s1] =	ssyncadd.s32 $0xFFFFFC00;
	s11 =	sor.u32 $0x400, s10  }
0x1d5: {  	[hbm4b:s13+s3] =	stream.linear.scatter [tilespmem:s11], [sflag:$0x7], $0x80, $0x38;
	[tilespmem:$0xC00] =	vst v63  }
0x1d6: {  	s12 =	sor.u32 $0x500, s10;
	s13 =	sadd.s32 $0x8E0, s9  }
0x1d7: {  	[hbm4b:s13+s3] =	stream.linear.scatter [tilespmem:s12], [sflag:$0x7], $0x80, $0x38;
	[tilespmem:$0xC00] =	vst v63  }
0x1d8: {  	s12 =	sor.u32 $0x600, s10;
	s13 =	sadd.s32 $0x960, s9  }
0x1d9: {  	[hbm4b:s13+s3] =	stream.linear.scatter [tilespmem:s12], [sflag:$0x7], $0x80, $0x38;
	[tilespmem:$0xC00] =	vst v63  }
0x1da: {  	s10 =	sor.u32 $0x700, s10;
	s13 =	sadd.s32 $0x9E0, s9  }
0x1db: {  	[hbm4b:s13+s3] =	stream.linear.scatter [tilespmem:s10], [sflag:$0x7], $0x80, $0x38;
	[tilespmem:$0xC00] =	vst v63  }
0x1dc: {  	s12 =	sadd.s32 $0x400, s11;
	s13 =	sadd.s32 $0xA60, s9  }
0x1dd: {  	[hbm4b:s13+s3] =	stream.linear.scatter [tilespmem:s12], [sflag:$0x7], $0x80, $0x38;
	[tilespmem:$0xC00] =	vst v63  }
0x1de: {  	s12 =	sadd.s32 $0x500, s11;
	s13 =	sadd.s32 $0xAE0, s9  }
0x1df: {  	[hbm4b:s13+s3] =	stream.linear.scatter [tilespmem:s12], [sflag:$0x7], $0x80, $0x38;
	[tilespmem:$0xC00] =	vst v63  }
0x1e0: {  	s12 =	sadd.s32 $0x600, s11;
	s13 =	sadd.s32 $0xB60, s9  }
0x1e1: {  	[hbm4b:s13+s3] =	stream.linear.scatter [tilespmem:s12], [sflag:$0x7], $0x80, $0x38;
	[tilespmem:$0xC00] =	vst v63  }
0x1e2: {  	s12 =	sadd.s32 $0x700, s11;
	s13 =	sadd.s32 $0xBE0, s9  }
0x1e3: {  	[hbm4b:s13+s3] =	stream.linear.scatter [tilespmem:s12], [sflag:$0x7], $0x80, $0x38;
	[tilespmem:$0xC00] =	vst v63  }
0x1e4: {  	_ =	swait.ge [sflag:s2], $0x400  }
0x1e5: {  	(v2sf) =	vpush v0, $0x7;
	_ =	sdelay $0xe  }
0x1e6: {  	s11 =	spop (v2sf)  }
0x1e7: {  	s12 =	sshll.u32 s11, $0x7  }
0x1e8: {  	s10 =	sshll.u32 s11, $0xA;
	s11 =	sand.u32 $0x80, s12  }
0x1e9: {  	[sflag:s2] =	ssyncset.done $0x0;
	s10 =	sor.u32 s11, s10  }
0x1ea: {  	s13 =	sadd.s32 $0x870, s9;
	[sflag:s2] =	ssyncadd.s32 $0xFFFFFC00;
	s11 =	sor.u32 $0x400, s10  }
0x1eb: {  	[hbm4b:s13+s3] =	stream.linear.scatter [tilespmem:s11], [sflag:$0x8], $0x80, $0x38;
	[tilespmem:$0xC00] =	vst v63  }
0x1ec: {  	s12 =	sor.u32 $0x500, s10;
	s13 =	sadd.s32 $0x8F0, s9  }
0x1ed: {  	[hbm4b:s13+s3] =	stream.linear.scatter [tilespmem:s12], [sflag:$0x8], $0x80, $0x38;
	[tilespmem:$0xC00] =	vst v63  }
0x1ee: {  	s12 =	sor.u32 $0x600, s10;
	s13 =	sadd.s32 $0x970, s9  }
0x1ef: {  	[hbm4b:s13+s3] =	stream.linear.scatter [tilespmem:s12], [sflag:$0x8], $0x80, $0x38;
	[tilespmem:$0xC00] =	vst v63  }
0x1f0: {  	s10 =	sor.u32 $0x700, s10;
	s13 =	sadd.s32 $0x9F0, s9  }
0x1f1: {  	[hbm4b:s13+s3] =	stream.linear.scatter [tilespmem:s10], [sflag:$0x8], $0x80, $0x38;
	[tilespmem:$0xC00] =	vst v63  }
0x1f2: {  	s12 =	sadd.s32 $0x400, s11;
	s13 =	sadd.s32 $0xA70, s9  }
0x1f3: {  	[hbm4b:s13+s3] =	stream.linear.scatter [tilespmem:s12], [sflag:$0x8], $0x80, $0x38;
	[tilespmem:$0xC00] =	vst v63  }
0x1f4: {  	s12 =	sadd.s32 $0x500, s11;
	s13 =	sadd.s32 $0xAF0, s9  }
0x1f5: {  	[hbm4b:s13+s3] =	stream.linear.scatter [tilespmem:s12], [sflag:$0x8], $0x80, $0x38;
	[tilespmem:$0xC00] =	vst v63  }
0x1f6: {  	s12 =	sadd.s32 $0x600, s11;
	s13 =	sadd.s32 $0xB70, s9  }
0x1f7: {  	[hbm4b:s13+s3] =	stream.linear.scatter [tilespmem:s12], [sflag:$0x8], $0x80, $0x38;
	[tilespmem:$0xC00] =	vst v63  }
0x1f8: {  	s12 =	sadd.s32 $0x700, s11;
	s13 =	sadd.s32 $0xBF0, s9  }
0x1f9: {  	[hbm4b:s13+s3] =	stream.linear.scatter [tilespmem:s12], [sflag:$0x8], $0x80, $0x38;
	[tilespmem:$0xC00] =	vst v63  }
0x1fa: {  	_ =	swait.ge [sflag:s23], $0x400  }
0x1fb: {  	(v2sf) =	vpush v0, $0x8;
	_ =	sdelay $0xe  }
0x1fc: {  	s11 =	spop (v2sf)  }
0x1fd: {  	s12 =	sshll.u32 s11, $0x7  }
0x1fe: {  	s10 =	sshll.u32 s11, $0xA;
	s11 =	sand.u32 $0x80, s12  }
0x1ff: {  	[sflag:s23] =	ssyncset.done $0x0;
	s10 =	sor.u32 s11, s10  }
0x200: {  	s13 =	sadd.s32 $0xC00, s9;
	[sflag:s23] =	ssyncadd.s32 $0xFFFFFC00;
	s11 =	sor.u32 $0x400, s10  }
0x201: {  	[hbm4b:s13+s3] =	stream.linear.scatter [tilespmem:s11], [sflag:$0x9], $0x80, $0x38;
	[tilespmem:$0xC00] =	vst v63  }
0x202: {  	s12 =	sor.u32 $0x500, s10;
	s13 =	sadd.s32 $0xC80, s9  }
0x203: {  	[hbm4b:s13+s3] =	stream.linear.scatter [tilespmem:s12], [sflag:$0x9], $0x80, $0x38;
	[tilespmem:$0xC00] =	vst v63  }
0x204: {  	s12 =	sor.u32 $0x600, s10;
	s13 =	sadd.s32 $0xD00, s9  }
0x205: {  	[hbm4b:s13+s3] =	stream.linear.scatter [tilespmem:s12], [sflag:$0x9], $0x80, $0x38;
	[tilespmem:$0xC00] =	vst v63  }
0x206: {  	s10 =	sor.u32 $0x700, s10;
	s13 =	sadd.s32 $0xD80, s9  }
0x207: {  	[hbm4b:s13+s3] =	stream.linear.scatter [tilespmem:s10], [sflag:$0x9], $0x80, $0x38;
	[tilespmem:$0xC00] =	vst v63  }
0x208: {  	s12 =	sadd.s32 $0x400, s11;
	s13 =	sadd.s32 $0xE00, s9  }
0x209: {  	[hbm4b:s13+s3] =	stream.linear.scatter [tilespmem:s12], [sflag:$0x9], $0x80, $0x38;
	[tilespmem:$0xC00] =	vst v63  }
0x20a: {  	s12 =	sadd.s32 $0x500, s11;
	s13 =	sadd.s32 $0xE80, s9  }
0x20b: {  	[hbm4b:s13+s3] =	stream.linear.scatter [tilespmem:s12], [sflag:$0x9], $0x80, $0x38;
	[tilespmem:$0xC00] =	vst v63  }
0x20c: {  	s12 =	sadd.s32 $0x600, s11;
	s13 =	sadd.s32 $0xF00, s9  }
0x20d: {  	[hbm4b:s13+s3] =	stream.linear.scatter [tilespmem:s12], [sflag:$0x9], $0x80, $0x38;
	[tilespmem:$0xC00] =	vst v63  }
0x20e: {  	s12 =	sadd.s32 $0x700, s11;
	s13 =	sadd.s32 $0xF80, s9  }
0x20f: {  	[hbm4b:s13+s3] =	stream.linear.scatter [tilespmem:s12], [sflag:$0x9], $0x80, $0x38;
	[tilespmem:$0xC00] =	vst v63  }
0x210: {  	_ =	swait.ge [sflag:s4], $0x400  }
0x211: {  	(v2sf) =	vpush v0, $0x9;
	_ =	sdelay $0xe  }
0x212: {  	s11 =	spop (v2sf)  }
0x213: {  	s12 =	sshll.u32 s11, $0x7  }
0x214: {  	s10 =	sshll.u32 s11, $0xA;
	s11 =	sand.u32 $0x80, s12  }
0x215: {  	[sflag:s4] =	ssyncset.done $0x0;
	s10 =	sor.u32 s11, s10  }
0x216: {  	s13 =	sadd.s32 $0xC10, s9;
	[sflag:s4] =	ssyncadd.s32 $0xFFFFFC00;
	s11 =	sor.u32 $0x400, s10  }
0x217: {  	[hbm4b:s13+s3] =	stream.linear.scatter [tilespmem:s11], [sflag:$0xA], $0x80, $0x38;
	[tilespmem:$0xC00] =	vst v63  }
0x218: {  	s12 =	sor.u32 $0x500, s10;
	s13 =	sadd.s32 $0xC90, s9  }
0x219: {  	[hbm4b:s13+s3] =	stream.linear.scatter [tilespmem:s12], [sflag:$0xA], $0x80, $0x38;
	[tilespmem:$0xC00] =	vst v63  }
0x21a: {  	s12 =	sor.u32 $0x600, s10;
	s13 =	sadd.s32 $0xD10, s9  }
0x21b: {  	[hbm4b:s13+s3] =	stream.linear.scatter [tilespmem:s12], [sflag:$0xA], $0x80, $0x38;
	[tilespmem:$0xC00] =	vst v63  }
0x21c: {  	s10 =	sor.u32 $0x700, s10;
	s13 =	sadd.s32 $0xD90, s9  }
0x21d: {  	[hbm4b:s13+s3] =	stream.linear.scatter [tilespmem:s10], [sflag:$0xA], $0x80, $0x38;
	[tilespmem:$0xC00] =	vst v63  }
0x21e: {  	s12 =	sadd.s32 $0x400, s11;
	s13 =	sadd.s32 $0xE10, s9  }
0x21f: {  	[hbm4b:s13+s3] =	stream.linear.scatter [tilespmem:s12], [sflag:$0xA], $0x80, $0x38;
	[tilespmem:$0xC00] =	vst v63  }
0x220: {  	s12 =	sadd.s32 $0x500, s11;
	s13 =	sadd.s32 $0xE90, s9  }
0x221: {  	[hbm4b:s13+s3] =	stream.linear.scatter [tilespmem:s12], [sflag:$0xA], $0x80, $0x38;
	[tilespmem:$0xC00] =	vst v63  }
0x222: {  	s12 =	sadd.s32 $0x600, s11;
	s13 =	sadd.s32 $0xF10, s9  }
0x223: {  	[hbm4b:s13+s3] =	stream.linear.scatter [tilespmem:s12], [sflag:$0xA], $0x80, $0x38;
	[tilespmem:$0xC00] =	vst v63  }
0x224: {  	s12 =	sadd.s32 $0x700, s11;
	s13 =	sadd.s32 $0xF90, s9  }
0x225: {  	[hbm4b:s13+s3] =	stream.linear.scatter [tilespmem:s12], [sflag:$0xA], $0x80, $0x38;
	[tilespmem:$0xC00] =	vst v63  }
0x226: {  	_ =	swait.ge [sflag:s21], $0x400  }
0x227: {  	(v2sf) =	vpush v0, $0xA;
	_ =	sdelay $0xe  }
0x228: {  	s11 =	spop (v2sf)  }
0x229: {  	s12 =	sshll.u32 s11, $0x7  }
0x22a: {  	s10 =	sshll.u32 s11, $0xA;
	s11 =	sand.u32 $0x80, s12  }
0x22b: {  	[sflag:s21] =	ssyncset.done $0x0;
	s10 =	sor.u32 s11, s10  }
0x22c: {  	s13 =	sadd.s32 $0xC20, s9;
	[sflag:s21] =	ssyncadd.s32 $0xFFFFFC00;
	s11 =	sor.u32 $0x400, s10  }
0x22d: {  	[hbm4b:s13+s3] =	stream.linear.scatter [tilespmem:s11], [sflag:$0xB], $0x80, $0x38;
	[tilespmem:$0xC00] =	vst v63  }
0x22e: {  	s12 =	sor.u32 $0x500, s10;
	s13 =	sadd.s32 $0xCA0, s9  }
0x22f: {  	[hbm4b:s13+s3] =	stream.linear.scatter [tilespmem:s12], [sflag:$0xB], $0x80, $0x38;
	[tilespmem:$0xC00] =	vst v63  }
0x230: {  	s12 =	sor.u32 $0x600, s10;
	s13 =	sadd.s32 $0xD20, s9  }
0x231: {  	[hbm4b:s13+s3] =	stream.linear.scatter [tilespmem:s12], [sflag:$0xB], $0x80, $0x38;
	[tilespmem:$0xC00] =	vst v63  }
0x232: {  	s10 =	sor.u32 $0x700, s10;
	s13 =	sadd.s32 $0xDA0, s9  }
0x233: {  	[hbm4b:s13+s3] =	stream.linear.scatter [tilespmem:s10], [sflag:$0xB], $0x80, $0x38;
	[tilespmem:$0xC00] =	vst v63  }
0x234: {  	s12 =	sadd.s32 $0x400, s11;
	s13 =	sadd.s32 $0xE20, s9  }
0x235: {  	[hbm4b:s13+s3] =	stream.linear.scatter [tilespmem:s12], [sflag:$0xB], $0x80, $0x38;
	[tilespmem:$0xC00] =	vst v63  }
0x236: {  	s12 =	sadd.s32 $0x500, s11;
	s13 =	sadd.s32 $0xEA0, s9  }
0x237: {  	[hbm4b:s13+s3] =	stream.linear.scatter [tilespmem:s12], [sflag:$0xB], $0x80, $0x38;
	[tilespmem:$0xC00] =	vst v63  }
0x238: {  	s12 =	sadd.s32 $0x600, s11;
	s13 =	sadd.s32 $0xF20, s9  }
0x239: {  	[hbm4b:s13+s3] =	stream.linear.scatter [tilespmem:s12], [sflag:$0xB], $0x80, $0x38;
	[tilespmem:$0xC00] =	vst v63  }
0x23a: {  	s12 =	sadd.s32 $0x700, s11;
	s13 =	sadd.s32 $0xFA0, s9  }
0x23b: {  	[hbm4b:s13+s3] =	stream.linear.scatter [tilespmem:s12], [sflag:$0xB], $0x80, $0x38;
	[tilespmem:$0xC00] =	vst v63  }
0x23c: {  	_ =	swait.ge [sflag:s24], $0x400  }
0x23d: {  	(v2sf) =	vpush v0, $0xB;
	_ =	sdelay $0xe  }
0x23e: {  	s11 =	spop (v2sf)  }
0x23f: {  	s12 =	sshll.u32 s11, $0x7  }
0x240: {  	s10 =	sshll.u32 s11, $0xA;
	s11 =	sand.u32 $0x80, s12  }
0x241: {  	[sflag:s24] =	ssyncset.done $0x0;
	s10 =	sor.u32 s11, s10  }
0x242: {  	s13 =	sadd.s32 $0xC30, s9;
	[sflag:s24] =	ssyncadd.s32 $0xFFFFFC00;
	s11 =	sor.u32 $0x400, s10  }
0x243: {  	[hbm4b:s13+s3] =	stream.linear.scatter [tilespmem:s11], [sflag:$0xC], $0x80, $0x38;
	[tilespmem:$0xC00] =	vst v63  }
0x244: {  	s12 =	sor.u32 $0x500, s10;
	s13 =	sadd.s32 $0xCB0, s9  }
0x245: {  	[hbm4b:s13+s3] =	stream.linear.scatter [tilespmem:s12], [sflag:$0xC], $0x80, $0x38;
	[tilespmem:$0xC00] =	vst v63  }
0x246: {  	s12 =	sor.u32 $0x600, s10;
	s13 =	sadd.s32 $0xD30, s9  }
0x247: {  	[hbm4b:s13+s3] =	stream.linear.scatter [tilespmem:s12], [sflag:$0xC], $0x80, $0x38;
	[tilespmem:$0xC00] =	vst v63  }
0x248: {  	s10 =	sor.u32 $0x700, s10;
	s13 =	sadd.s32 $0xDB0, s9  }
0x249: {  	[hbm4b:s13+s3] =	stream.linear.scatter [tilespmem:s10], [sflag:$0xC], $0x80, $0x38;
	[tilespmem:$0xC00] =	vst v63  }
0x24a: {  	s12 =	sadd.s32 $0x400, s11;
	s13 =	sadd.s32 $0xE30, s9  }
0x24b: {  	[hbm4b:s13+s3] =	stream.linear.scatter [tilespmem:s12], [sflag:$0xC], $0x80, $0x38;
	[tilespmem:$0xC00] =	vst v63  }
0x24c: {  	s12 =	sadd.s32 $0x500, s11;
	s13 =	sadd.s32 $0xEB0, s9  }
0x24d: {  	[hbm4b:s13+s3] =	stream.linear.scatter [tilespmem:s12], [sflag:$0xC], $0x80, $0x38;
	[tilespmem:$0xC00] =	vst v63  }
0x24e: {  	s12 =	sadd.s32 $0x600, s11;
	s13 =	sadd.s32 $0xF30, s9  }
0x24f: {  	[hbm4b:s13+s3] =	stream.linear.scatter [tilespmem:s12], [sflag:$0xC], $0x80, $0x38;
	[tilespmem:$0xC00] =	vst v63  }
0x250: {  	s12 =	sadd.s32 $0x700, s11;
	s13 =	sadd.s32 $0xFB0, s9  }
0x251: {  	[hbm4b:s13+s3] =	stream.linear.scatter [tilespmem:s12], [sflag:$0xC], $0x80, $0x38;
	[tilespmem:$0xC00] =	vst v63  }
0x252: {  	_ =	swait.ge [sflag:s25], $0x400  }
0x253: {  	(v2sf) =	vpush v0, $0xC;
	_ =	sdelay $0xe  }
0x254: {  	s11 =	spop (v2sf)  }
0x255: {  	s12 =	sshll.u32 s11, $0x7  }
0x256: {  	s10 =	sshll.u32 s11, $0xA;
	s11 =	sand.u32 $0x80, s12  }
0x257: {  	[sflag:s25] =	ssyncset.done $0x0;
	s10 =	sor.u32 s11, s10  }
0x258: {  	s13 =	sadd.s32 $0xC40, s9;
	[sflag:s25] =	ssyncadd.s32 $0xFFFFFC00;
	s11 =	sor.u32 $0x400, s10  }
0x259: {  	[hbm4b:s13+s3] =	stream.linear.scatter [tilespmem:s11], [sflag:$0xD], $0x80, $0x38;
	[tilespmem:$0xC00] =	vst v63  }
0x25a: {  	s12 =	sor.u32 $0x500, s10;
	s13 =	sadd.s32 $0xCC0, s9  }
0x25b: {  	[hbm4b:s13+s3] =	stream.linear.scatter [tilespmem:s12], [sflag:$0xD], $0x80, $0x38;
	[tilespmem:$0xC00] =	vst v63  }
0x25c: {  	s12 =	sor.u32 $0x600, s10;
	s13 =	sadd.s32 $0xD40, s9  }
0x25d: {  	[hbm4b:s13+s3] =	stream.linear.scatter [tilespmem:s12], [sflag:$0xD], $0x80, $0x38;
	[tilespmem:$0xC00] =	vst v63  }
0x25e: {  	s10 =	sor.u32 $0x700, s10;
	s13 =	sadd.s32 $0xDC0, s9  }
0x25f: {  	[hbm4b:s13+s3] =	stream.linear.scatter [tilespmem:s10], [sflag:$0xD], $0x80, $0x38;
	[tilespmem:$0xC00] =	vst v63  }
0x260: {  	s12 =	sadd.s32 $0x400, s11;
	s13 =	sadd.s32 $0xE40, s9  }
0x261: {  	[hbm4b:s13+s3] =	stream.linear.scatter [tilespmem:s12], [sflag:$0xD], $0x80, $0x38;
	[tilespmem:$0xC00] =	vst v63  }
0x262: {  	s12 =	sadd.s32 $0x500, s11;
	s13 =	sadd.s32 $0xEC0, s9  }
0x263: {  	[hbm4b:s13+s3] =	stream.linear.scatter [tilespmem:s12], [sflag:$0xD], $0x80, $0x38;
	[tilespmem:$0xC00] =	vst v63  }
0x264: {  	s12 =	sadd.s32 $0x600, s11;
	s13 =	sadd.s32 $0xF40, s9  }
0x265: {  	[hbm4b:s13+s3] =	stream.linear.scatter [tilespmem:s12], [sflag:$0xD], $0x80, $0x38;
	[tilespmem:$0xC00] =	vst v63  }
0x266: {  	s12 =	sadd.s32 $0x700, s11;
	s13 =	sadd.s32 $0xFC0, s9  }
0x267: {  	[hbm4b:s13+s3] =	stream.linear.scatter [tilespmem:s12], [sflag:$0xD], $0x80, $0x38;
	[tilespmem:$0xC00] =	vst v63  }
0x268: {  	_ =	swait.ge [sflag:s22], $0x400  }
0x269: {  	(v2sf) =	vpush v0, $0xD;
	_ =	sdelay $0xe  }
0x26a: {  	s11 =	spop (v2sf)  }
0x26b: {  	s12 =	sshll.u32 s11, $0x7  }
0x26c: {  	s10 =	sshll.u32 s11, $0xA;
	s11 =	sand.u32 $0x80, s12  }
0x26d: {  	[sflag:s22] =	ssyncset.done $0x0;
	s10 =	sor.u32 s11, s10  }
0x26e: {  	s13 =	sadd.s32 $0xC50, s9;
	[sflag:s22] =	ssyncadd.s32 $0xFFFFFC00;
	s11 =	sor.u32 $0x400, s10  }
0x26f: {  	[hbm4b:s13+s3] =	stream.linear.scatter [tilespmem:s11], [sflag:$0xE], $0x80, $0x38;
	[tilespmem:$0xC00] =	vst v63  }
0x270: {  	s12 =	sor.u32 $0x500, s10;
	s13 =	sadd.s32 $0xCD0, s9  }
0x271: {  	[hbm4b:s13+s3] =	stream.linear.scatter [tilespmem:s12], [sflag:$0xE], $0x80, $0x38;
	[tilespmem:$0xC00] =	vst v63  }
0x272: {  	s12 =	sor.u32 $0x600, s10;
	s13 =	sadd.s32 $0xD50, s9  }
0x273: {  	[hbm4b:s13+s3] =	stream.linear.scatter [tilespmem:s12], [sflag:$0xE], $0x80, $0x38;
	[tilespmem:$0xC00] =	vst v63  }
0x274: {  	s10 =	sor.u32 $0x700, s10;
	s13 =	sadd.s32 $0xDD0, s9  }
0x275: {  	[hbm4b:s13+s3] =	stream.linear.scatter [tilespmem:s10], [sflag:$0xE], $0x80, $0x38;
	[tilespmem:$0xC00] =	vst v63  }
0x276: {  	s12 =	sadd.s32 $0x400, s11;
	s13 =	sadd.s32 $0xE50, s9  }
0x277: {  	[hbm4b:s13+s3] =	stream.linear.scatter [tilespmem:s12], [sflag:$0xE], $0x80, $0x38;
	[tilespmem:$0xC00] =	vst v63  }
0x278: {  	s12 =	sadd.s32 $0x500, s11;
	s13 =	sadd.s32 $0xED0, s9  }
0x279: {  	[hbm4b:s13+s3] =	stream.linear.scatter [tilespmem:s12], [sflag:$0xE], $0x80, $0x38;
	[tilespmem:$0xC00] =	vst v63  }
0x27a: {  	s12 =	sadd.s32 $0x600, s11;
	s13 =	sadd.s32 $0xF50, s9  }
0x27b: {  	[hbm4b:s13+s3] =	stream.linear.scatter [tilespmem:s12], [sflag:$0xE], $0x80, $0x38;
	[tilespmem:$0xC00] =	vst v63  }
0x27c: {  	s12 =	sadd.s32 $0x700, s11;
	s13 =	sadd.s32 $0xFD0, s9  }
0x27d: {  	[hbm4b:s13+s3] =	stream.linear.scatter [tilespmem:s12], [sflag:$0xE], $0x80, $0x38;
	[tilespmem:$0xC00] =	vst v63  }
0x27e: {  	_ =	swait.ge [sflag:s5], $0x400  }
0x27f: {  	(v2sf) =	vpush v0, $0xE;
	_ =	sdelay $0xe  }
0x280: {  	s11 =	spop (v2sf)  }
0x281: {  	s12 =	sshll.u32 s11, $0x7  }
0x282: {  	s10 =	sshll.u32 s11, $0xA;
	s11 =	sand.u32 $0x80, s12  }
0x283: {  	[sflag:s5] =	ssyncset.done $0x0;
	s10 =	sor.u32 s11, s10  }
0x284: {  	s13 =	sadd.s32 $0xC60, s9;
	[sflag:s5] =	ssyncadd.s32 $0xFFFFFC00;
	s11 =	sor.u32 $0x400, s10  }
0x285: {  	[hbm4b:s13+s3] =	stream.linear.scatter [tilespmem:s11], [sflag:$0xF], $0x80, $0x38;
	[tilespmem:$0xC00] =	vst v63  }
0x286: {  	s12 =	sor.u32 $0x500, s10;
	s13 =	sadd.s32 $0xCE0, s9  }
0x287: {  	[hbm4b:s13+s3] =	stream.linear.scatter [tilespmem:s12], [sflag:$0xF], $0x80, $0x38;
	[tilespmem:$0xC00] =	vst v63  }
0x288: {  	s12 =	sor.u32 $0x600, s10;
	s13 =	sadd.s32 $0xD60, s9  }
0x289: {  	[hbm4b:s13+s3] =	stream.linear.scatter [tilespmem:s12], [sflag:$0xF], $0x80, $0x38;
	[tilespmem:$0xC00] =	vst v63  }
0x28a: {  	s10 =	sor.u32 $0x700, s10;
	s13 =	sadd.s32 $0xDE0, s9  }
0x28b: {  	[hbm4b:s13+s3] =	stream.linear.scatter [tilespmem:s10], [sflag:$0xF], $0x80, $0x38;
	[tilespmem:$0xC00] =	vst v63  }
0x28c: {  	s12 =	sadd.s32 $0x400, s11;
	s13 =	sadd.s32 $0xE60, s9  }
0x28d: {  	[hbm4b:s13+s3] =	stream.linear.scatter [tilespmem:s12], [sflag:$0xF], $0x80, $0x38;
	[tilespmem:$0xC00] =	vst v63  }
0x28e: {  	s12 =	sadd.s32 $0x500, s11;
	s13 =	sadd.s32 $0xEE0, s9  }
0x28f: {  	[hbm4b:s13+s3] =	stream.linear.scatter [tilespmem:s12], [sflag:$0xF], $0x80, $0x38;
	[tilespmem:$0xC00] =	vst v63  }
0x290: {  	s12 =	sadd.s32 $0x600, s11;
	s13 =	sadd.s32 $0xF60, s9  }
0x291: {  	[hbm4b:s13+s3] =	stream.linear.scatter [tilespmem:s12], [sflag:$0xF], $0x80, $0x38;
	[tilespmem:$0xC00] =	vst v63  }
0x292: {  	s12 =	sadd.s32 $0x700, s11;
	s13 =	sadd.s32 $0xFE0, s9  }
0x293: {  	[hbm4b:s13+s3] =	stream.linear.scatter [tilespmem:s12], [sflag:$0xF], $0x80, $0x38;
	[tilespmem:$0xC00] =	vst v63  }
0x294: {  	_ =	swait.ge [sflag:s6], $0x400  }
0x295: {  	(v2sf) =	vpush v0, $0xF;
	_ =	sdelay $0xe  }
0x296: {  	s11 =	spop (v2sf)  }
0x297: {  	s12 =	sshll.u32 s11, $0x7  }
0x298: {  	s10 =	sshll.u32 s11, $0xA;
	s11 =	sand.u32 $0x80, s12  }
0x299: {  	[sflag:s6] =	ssyncset.done $0x0;
	s10 =	sor.u32 s11, s10  }
0x29a: {  	s13 =	sadd.s32 $0xC70, s9;
	[sflag:s6] =	ssyncadd.s32 $0xFFFFFC00;
	s11 =	sor.u32 $0x400, s10  }
0x29b: {  	[hbm4b:s13+s3] =	stream.linear.scatter [tilespmem:s11], [sflag:$0x10], $0x80, $0x38;
	[tilespmem:$0xC00] =	vst v63  }
0x29c: {  	s12 =	sor.u32 $0x500, s10;
	s13 =	sadd.s32 $0xCF0, s9  }
0x29d: {  	[hbm4b:s13+s3] =	stream.linear.scatter [tilespmem:s12], [sflag:$0x10], $0x80, $0x38;
	[tilespmem:$0xC00] =	vst v63  }
0x29e: {  	s12 =	sor.u32 $0x600, s10;
	s13 =	sadd.s32 $0xD70, s9  }
0x29f: {  	[hbm4b:s13+s3] =	stream.linear.scatter [tilespmem:s12], [sflag:$0x10], $0x80, $0x38;
	[tilespmem:$0xC00] =	vst v63  }
0x2a0: {  	s10 =	sor.u32 $0x700, s10;
	s13 =	sadd.s32 $0xDF0, s9  }
0x2a1: {  	[hbm4b:s13+s3] =	stream.linear.scatter [tilespmem:s10], [sflag:$0x10], $0x80, $0x38;
	[tilespmem:$0xC00] =	vst v63  }
0x2a2: {  	s12 =	sadd.s32 $0x400, s11;
	s13 =	sadd.s32 $0xE70, s9  }
0x2a3: {  	[hbm4b:s13+s3] =	stream.linear.scatter [tilespmem:s12], [sflag:$0x10], $0x80, $0x38;
	[tilespmem:$0xC00] =	vst v63  }
0x2a4: {  	p0 =	sne.s32 s8, $0x1F000;
	s12 =	sadd.s32 $0x500, s11;
	s13 =	sadd.s32 $0xEF0, s9  }
0x2a5: {  	[hbm4b:s13+s3] =	stream.linear.scatter [tilespmem:s12], [sflag:$0x10], $0x80, $0x38;
	[tilespmem:$0xC00] =	vst v63  }
.Ltmp0:
0x2a6: {  	_ = 	snop;
	(pc) =	sbr.rel @p0 .LBB2_2-.Ltmp0, $4  }
0x2a7: {  	s7 =	sadd.s32 $0x10, s7;
	s12 =	sadd.s32 $0x600, s11;
	s13 =	sadd.s32 $0xF70, s9  }
0x2a8: {  	[hbm4b:s13+s3] =	stream.linear.scatter [tilespmem:s12], [sflag:$0x10], $0x80, $0x38;
	[tilespmem:$0xC00] =	vst v63  }
0x2a9: {  	s8 =	sadd.s32 $0x800, s8;
	s9 =	sadd.s32 $0xFF0, s9;
	s13 =	sadd.s32 $0x700, s11  }
0x2aa: {  	[hbm4b:s9+s3] =	stream.linear.scatter [tilespmem:s13], [sflag:$0x10], $0x80, $0x38;
	[tilespmem:$0xC00] =	vst v63  }
0x2ab: {  	_ =	swait.ge [sflag:s26], $0x400  }
0x2ac: {  	[sflag:s26] =	ssyncset.done $0x0  }
0x2ad: {  	[sflag:s26] =	ssyncadd.s32 $0xFFFFFC00  }
0x2ae: {  	_ =	swait.ge [sflag:s28], $0x400  }
0x2af: {  	[sflag:s28] =	ssyncset.done $0x0  }
0x2b0: {  	[sflag:s28] =	ssyncadd.s32 $0xFFFFFC00  }
0x2b1: {  	_ =	swait.ge [sflag:s29], $0x400  }
0x2b2: {  	[sflag:s29] =	ssyncset.done $0x0  }
0x2b3: {  	[sflag:s29] =	ssyncadd.s32 $0xFFFFFC00  }
0x2b4: {  	_ =	swait.ge [sflag:s30], $0x400  }
0x2b5: {  	[sflag:s30] =	ssyncset.done $0x0  }
0x2b6: {  	[sflag:s30] =	ssyncadd.s32 $0xFFFFFC00  }
0x2b7: {  	_ =	swait.ge [sflag:s31], $0x400  }
0x2b8: {  	[sflag:s31] =	ssyncset.done $0x0  }
0x2b9: {  	[sflag:s31] =	ssyncadd.s32 $0xFFFFFC00  }
0x2ba: {  	_ =	swait.ge [sflag:s0], $0x400  }
0x2bb: {  	[sflag:s0] =	ssyncset.done $0x0  }
0x2bc: {  	[sflag:s0] =	ssyncadd.s32 $0xFFFFFC00  }
0x2bd: {  	_ =	swait.ge [sflag:s1], $0x400  }
0x2be: {  	[sflag:s1] =	ssyncset.done $0x0  }
0x2bf: {  	[sflag:s1] =	ssyncadd.s32 $0xFFFFFC00  }
0x2c0: {  	_ =	swait.ge [sflag:s2], $0x400  }
0x2c1: {  	[sflag:s2] =	ssyncset.done $0x0  }
0x2c2: {  	[sflag:s2] =	ssyncadd.s32 $0xFFFFFC00  }
0x2c3: {  	_ =	swait.ge [sflag:s23], $0x400  }
0x2c4: {  	[sflag:s23] =	ssyncset.done $0x0  }
0x2c5: {  	[sflag:s23] =	ssyncadd.s32 $0xFFFFFC00  }
0x2c6: {  	_ =	swait.ge [sflag:s4], $0x400  }
0x2c7: {  	[sflag:s4] =	ssyncset.done $0x0  }
0x2c8: {  	[sflag:s4] =	ssyncadd.s32 $0xFFFFFC00  }
0x2c9: {  	_ =	swait.ge [sflag:s21], $0x400  }
0x2ca: {  	[sflag:s21] =	ssyncset.done $0x0  }
0x2cb: {  	[sflag:s21] =	ssyncadd.s32 $0xFFFFFC00  }
0x2cc: {  	_ =	swait.ge [sflag:s24], $0x400  }
0x2cd: {  	[sflag:s24] =	ssyncset.done $0x0  }
0x2ce: {  	[sflag:s24] =	ssyncadd.s32 $0xFFFFFC00  }
0x2cf: {  	_ =	swait.ge [sflag:s25], $0x400  }
0x2d0: {  	[sflag:s25] =	ssyncset.done $0x0  }
0x2d1: {  	[sflag:s25] =	ssyncadd.s32 $0xFFFFFC00  }
0x2d2: {  	_ =	swait.ge [sflag:s22], $0x400  }
0x2d3: {  	[sflag:s22] =	ssyncset.done $0x0  }
0x2d4: {  	[sflag:s22] =	ssyncadd.s32 $0xFFFFFC00  }
0x2d5: {  	_ =	swait.ge [sflag:s5], $0x400  }
0x2d6: {  	[sflag:s5] =	ssyncset.done $0x0  }
0x2d7: {  	[sflag:s5] =	ssyncadd.s32 $0xFFFFFC00  }
0x2d8: {  	_ =	swait.ge [sflag:s6], $0x400  }
0x2d9: {  	s8 =	rddreg [dreg:$0x12]  }
0x2da: {  	s7 =	rddreg [dreg:$0xf];
	s8 =	sadd.s32 $0x1, s8  }
0x2db: {  	p0 =	sne.s32 s8, s7  }
.Ltmp1:
0x2dc: {  	_ = 	snop;
	(pc) =	sbr.rel @p0 .LBB2_1-.Ltmp1, $3  }
0x2dd: {  	_ =	sdelay $0x1  }
0x2de: {  	[sflag:s6] =	ssyncset.done $0x0  }
0x2df: {  	[sflag:s6] =	ssyncadd.s32 $0xFFFFFC00  }
0x2e0: {  	_ =	sfence.sel $0x180000  }
0x2e1: {  	[bflag:$0x0] =	sbarrier.arrive $0xFFFF  }
0x2e2: {  	_ =	strace $0x90000047  }
0x2e3: {  	s0 =	stileid.u32;
	[bflag:$0x2] =	sbarrier.arrive $0xFFFF  }
0x2e4: {  	p0 =	sne.s32 s0, $0x0;
	s0 =	rddreg [dreg:$0x3]  }
0x2e5: {  	s0 =	sadd.s32 @!p0 $0x100000, s0  }
0x2e6: {  	[sflag:s0] =	ssyncadd.tile.s32 @!p0 $0x1;
	_ =	shalt  }
.Lfunc_end2:
_tile_overlayer_lowered:
.L_overlay_start_2:
0x2e7: {  	(tag) =	ssettag $0x2  }
0x2e8: {  	s0 =	rddreg [dreg:$0x0];
	s2 =	stileid.u32  }
0x2e9: {  	s1 =	rddreg [dreg:$0x1];
	p0 =	sne.s32 s2, $0x0  }
0x2ea: {  	s3 =	rddreg [dreg:$0x2];
	[bflag:$0x3] =	sbarrier.arrive $0xFFFF;
	s2 =	simm.s32 @!p0 $0x1C11  }
0x2eb: {  	[timem:s3], [sflag:s2] =	dma.local @!p0 [hbm:s0], s1  }
0x2ec: {  	s0 =	simm.s32 @!p0 $0x11  }
0x2ed: {  	_ =	swait.ge @!p0 [sflag:s0], s1  }
0x2ee: {  	s1 =	ssub.s32 @!p0 $0x0, s1;
	[sflag:s0] =	ssyncset.done @!p0 $0x0  }
0x2ef: {  	[sflag:s0] =	ssyncadd.s32 @!p0 s1  }
0x2f0: {  	[bflag:$0x3] =	sbarrier.arrive $0xFFFF  }
0x2f1: {  	_ =	shalt  }

</sc_bundles>
